<compile_context>
chip_gen: v7x
topology: tpu7x:2x2x1
jax: 0.10.2.dev20260603
libtpu: 0.0.44.dev20260713+nightly
codegen_flags: <defaults>
</compile_context>

<pallas_src>
import jax
import jax.numpy as jnp
from jax import lax
from jax.experimental import pallas as pl
from jax.experimental.pallas import tpu as pltpu
from jax.experimental.pallas import tpu_sc as plsc

_CB = 8
_TILES = 32


def kernel(token_ids, param):
    B, S = token_ids.shape
    V, D = param.shape
    rows_per_tile = B // _TILES

    padded = jnp.pad(param, ((0, 0), (0, 128 - D)))
    idx = token_ids.astype(jnp.int32)

    mesh = plsc.VectorSubcoreMesh(core_axis_name="c", subcore_axis_name="s")

    @pl.kernel(
        out_type=jax.ShapeDtypeStruct((B, S, 128), param.dtype),
        mesh=mesh,
        scratch_types=[
            pltpu.VMEM((128, S), jnp.int32),
            pltpu.VMEM((2, _CB * S, 128), jnp.float32),
            pltpu.SemaphoreType.DMA,
            pltpu.SemaphoreType.DMA,
        ],
    )
    def gather_kernel(table_hbm, idx_hbm, out_hbm, ibuf, rbuf, gsem, wsem):
        wid = lax.axis_index("s") * 2 + lax.axis_index("c")
        base = wid * rows_per_tile

        def fire_gathers(buf_slot, idx0):
            return [
                pltpu.async_copy(
                    table_hbm.at[ibuf.at[idx0 + j]],
                    rbuf.at[buf_slot, pl.ds(j * S, S)],
                    gsem,
                )
                for j in range(_CB)
            ]

        def fire_writes(buf_slot, row0):
            return [
                pltpu.async_copy(
                    rbuf.at[buf_slot, pl.ds(j * S, S)],
                    out_hbm.at[row0 + j],
                    wsem,
                )
                for j in range(_CB)
            ]

        @pl.loop(0, rows_per_tile // 128)
        def _(q):
            qb = base + q * 128
            pltpu.sync_copy(idx_hbm.at[pl.ds(qb, 128)], ibuf)

            @pl.loop(0, 128 // (2 * _CB))
            def _(r):
                b0 = qb + r * 2 * _CB
                i0 = r * 2 * _CB
                ga = fire_gathers(0, i0)
                gb = fire_gathers(1, i0 + _CB)
                for h in ga:
                    h.wait()
                wa = fire_writes(0, b0)
                for h in gb:
                    h.wait()
                wb = fire_writes(1, b0 + _CB)
                for h in wa:
                    h.wait()
                for h in wb:
                    h.wait()

    out = gather_kernel(padded, idx)
    return out[..., :D]

# --- scband reference (transcript-rebuilt; emitter-appended) ---
"""Pipeline reference for scband-embedding-53223234732518 (READ-ONLY COPY).

The authoritative reference and input builder live on the scoring server;
editing this copy changes nothing except your own understanding.
"""

import jax, jax.numpy as jnp
import numpy as np

NUM_EMBEDDINGS = 1000000
EMBEDDING_DIM = 32

def setup_inputs(seed: int = 0) -> dict:
    key = jax.random.key(seed)
    k_idx, k_param = jax.random.split(key)
    token_ids = jax.random.randint(k_idx, (16384, 50), 0, NUM_EMBEDDINGS, dtype=jnp.int64 if jax.config.jax_enable_x64 else jnp.int32)
    # trunc_normal_(a=-3, b=3) equivalent
    param = jax.random.truncated_normal(k_param, -3.0, 3.0, (NUM_EMBEDDINGS, EMBEDDING_DIM), dtype=jnp.float32)
    return {"token_ids": token_ids, "param": param}

def reference(token_ids, param):
    # Embedding lookup: param[token_ids]
    return jnp.take(param, token_ids, axis=0)

if __name__ == "__main__":
    import jax
    _d = setup_inputs()
    print(jax.jit(kernel)(*tuple(_d.values())))

</pallas_src>

<mosaic_0001>
#map = affine_map<(d0, d1) -> (0, 0)>
#map1 = affine_map<(d0, d1) -> (0, 0, 0)>
module attributes {stable_mosaic.version = 14 : i64} {
  func.func @gather_kernel(%arg0: i32, %arg1: i32, %arg2: memref<1000000x128xf32, #tpu.memory_space<hbm>>, %arg3: memref<16384x50xi32, #tpu.memory_space<hbm>>, %arg4: memref<16384x50x128xf32, #tpu.memory_space<hbm>>, %arg5: memref<128x50xi32, #tpu.memory_space<vmem>>, %arg6: memref<2x400x128xf32, #tpu.memory_space<vmem>>, %arg7: memref<!tpu.dma_semaphore, #tpu.memory_space<semaphore_mem>>, %arg8: memref<!tpu.dma_semaphore, #tpu.memory_space<semaphore_mem>>) attributes {dimension_semantics = [#tpu.dimension_semantics<core_parallel>, #tpu.dimension_semantics<subcore_parallel>], iteration_bounds = array<i64: 2, 16>, scalar_prefetch = 0 : i64, scratch_operands = 4 : i64, tpu.core_type = #tpu.core_type<sc_vector_subcore>, window_params = [{transform_indices = #map}, {transform_indices = #map}, {transform_indices = #map1}]} {
    %mul3A = arith.constant 2 : i32
    %mul3A_0 = arith.muli %arg1, %mul3A : i32
    %add3A = arith.addi %mul3A_0, %arg0 : i32
    %mul3A_1 = arith.constant 512 : i32
    %mul3A_2 = arith.muli %add3A, %mul3A_1 : i32
    %scan3A = arith.constant 0 : i32
    %scan3A_3 = arith.constant 4 : i32
    %scan3A_4 = arith.addi %scan3A, %scan3A_3 : i32
    %scan3A_5 = arith.constant 1 : i32
    scf.for %scan3A_7 = %scan3A to %scan3A_4 step %scan3A_5  : i32 {
      %mul3A_8 = arith.constant 1 : i32
      %mul3A_9 = arith.muli %scan3A_7, %mul3A_8 : i32
      %add3A_10 = arith.constant 0 : i32
      %add3A_11 = arith.addi %add3A_10, %mul3A_9 : i32
      %mul3A_12 = arith.constant 128 : i32
      %mul3A_13 = arith.muli %add3A_11, %mul3A_12 : i32
      %add3A_14 = arith.addi %mul3A_2, %mul3A_13 : i32
      "tpu.region"() ({
        %run_scoped3A = tpu.sem_alloc : memref<!tpu.dma_semaphore, #tpu.memory_space<semaphore_mem>>
        %dma_start3A = arith.constant 0 : i32
        %dma_start3A_20 = tpu.memref_slice %arg3[%add3A_14, %dma_start3A] : memref<16384x50xi32, #tpu.memory_space<hbm>> -> memref<128x50xi32, #tpu.memory_space<hbm>>
        %dma_start3A_21 = arith.constant 0 : i32
        %dma_start3A_22 = tpu.memref_slice %arg3[%add3A_14, %dma_start3A_21] : memref<16384x50xi32, #tpu.memory_space<hbm>> -> memref<128x50xi32, #tpu.memory_space<hbm>>
        tpu.enqueue_dma source(%dma_start3A_22 : memref<128x50xi32, #tpu.memory_space<hbm>>) target(%arg5 : memref<128x50xi32, #tpu.memory_space<vmem>>) target_semaphore(%run_scoped3A : memref<!tpu.dma_semaphore, #tpu.memory_space<semaphore_mem>>)
        %dma_wait3A = arith.constant 0 : i32
        %dma_wait3A_23 = tpu.memref_slice %arg3[%add3A_14, %dma_wait3A] : memref<16384x50xi32, #tpu.memory_space<hbm>> -> memref<128x50xi32, #tpu.memory_space<hbm>>
        %dma_wait3A_24 = arith.constant 0 : i32
        %dma_wait3A_25 = tpu.memref_slice %arg3[%add3A_14, %dma_wait3A_24] : memref<16384x50xi32, #tpu.memory_space<hbm>> -> memref<128x50xi32, #tpu.memory_space<hbm>>
        tpu.wait_dma2 semaphore(%run_scoped3A : memref<!tpu.dma_semaphore, #tpu.memory_space<semaphore_mem>>) src(%dma_wait3A_25 : memref<128x50xi32, #tpu.memory_space<hbm>>) dst(%arg5 : memref<128x50xi32, #tpu.memory_space<vmem>>)
        tpu.yield
      }) : () -> ()
      %scan3A_15 = arith.constant 0 : i32
      %scan3A_16 = arith.constant 8 : i32
      %scan3A_17 = arith.addi %scan3A_15, %scan3A_16 : i32
      %scan3A_18 = arith.constant 1 : i32
      scf.for %scan3A_20 = %scan3A_15 to %scan3A_17 step %scan3A_18  : i32 {
        %mul3A_21 = arith.constant 1 : i32
        %mul3A_22 = arith.muli %scan3A_20, %mul3A_21 : i32
        %add3A_23 = arith.constant 0 : i32
        %add3A_24 = arith.addi %add3A_23, %mul3A_22 : i32
        %mul3A_25 = arith.constant 2 : i32
        %mul3A_26 = arith.muli %add3A_24, %mul3A_25 : i32
        %mul3A_27 = arith.constant 8 : i32
        %mul3A_28 = arith.muli %mul3A_26, %mul3A_27 : i32
        %add3A_29 = arith.addi %add3A_14, %mul3A_28 : i32
        %mul3A_30 = arith.constant 2 : i32
        %mul3A_31 = arith.muli %add3A_24, %mul3A_30 : i32
        %mul3A_32 = arith.constant 8 : i32
        %mul3A_33 = arith.muli %mul3A_31, %mul3A_32 : i32
        %add3A_34 = arith.constant 0 : i32
        %add3A_35 = arith.addi %mul3A_33, %add3A_34 : i32
        %dma_start3A = arith.constant 0 : i32
        %dma_start3A_36 = arith.constant 0 : i32
        %dma_start3A_37 = arith.constant 0 : i32
        %dma_start3A_38 = tpu.memref_slice %arg6[%dma_start3A, %dma_start3A_36, %dma_start3A_37] : memref<2x400x128xf32, #tpu.memory_space<vmem>> -> memref<1x50x128xf32, #tpu.memory_space<vmem>>
        %dma_start3A_39 = tpu.memref_squeeze %dma_start3A_38 : memref<1x50x128xf32, #tpu.memory_space<vmem>> -> memref<50x128xf32, #tpu.memory_space<vmem>>
        %dma_start3A_40 = arith.constant 0 : i32
        %dma_start3A_41 = tpu.memref_slice %arg5[%add3A_35, %dma_start3A_40] : memref<128x50xi32, #tpu.memory_space<vmem>> -> memref<1x50xi32, #tpu.memory_space<vmem>>
        %dma_start3A_42 = tpu.memref_squeeze %dma_start3A_41 : memref<1x50xi32, #tpu.memory_space<vmem>> -> memref<50xi32, #tpu.memory_space<vmem>>
        %dma_start3A_43 = arith.constant 0 : i32
        %dma_start3A_44 = arith.constant 0 : i32
        %dma_start3A_45 = tpu.memref_slice %arg2[%dma_start3A_43, %dma_start3A_44] : memref<1000000x128xf32, #tpu.memory_space<hbm>> -> memref<1000000x128xf32, #tpu.memory_space<hbm>>
        tpu.enqueue_indirect_dma source(%dma_start3A_45 : memref<1000000x128xf32, #tpu.memory_space<hbm>>) target(%dma_start3A_39 : memref<50x128xf32, #tpu.memory_space<vmem>>) offsets(%dma_start3A_42 : memref<50xi32, #tpu.memory_space<vmem>>) semaphore(%arg7 : memref<!tpu.dma_semaphore, #tpu.memory_space<semaphore_mem>>)
        %add3A_46 = arith.constant 1 : i32
        %add3A_47 = arith.addi %mul3A_33, %add3A_46 : i32
        %dma_start3A_48 = arith.constant 0 : i32
        %dma_start3A_49 = arith.constant 50 : i32
        %dma_start3A_50 = arith.constant 0 : i32
        %dma_start3A_51 = tpu.memref_slice %arg6[%dma_start3A_48, %dma_start3A_49, %dma_start3A_50] : memref<2x400x128xf32, #tpu.memory_space<vmem>> -> memref<1x50x128xf32, #tpu.memory_space<vmem>>
        %dma_start3A_52 = tpu.memref_squeeze %dma_start3A_51 : memref<1x50x128xf32, #tpu.memory_space<vmem>> -> memref<50x128xf32, #tpu.memory_space<vmem>>
        %dma_start3A_53 = arith.constant 0 : i32
        %dma_start3A_54 = tpu.memref_slice %arg5[%add3A_47, %dma_start3A_53] : memref<128x50xi32, #tpu.memory_space<vmem>> -> memref<1x50xi32, #tpu.memory_space<vmem>>
        %dma_start3A_55 = tpu.memref_squeeze %dma_start3A_54 : memref<1x50xi32, #tpu.memory_space<vmem>> -> memref<50xi32, #tpu.memory_space<vmem>>
        %dma_start3A_56 = arith.constant 0 : i32
        %dma_start3A_57 = arith.constant 0 : i32
        %dma_start3A_58 = tpu.memref_slice %arg2[%dma_start3A_56, %dma_start3A_57] : memref<1000000x128xf32, #tpu.memory_space<hbm>> -> memref<1000000x128xf32, #tpu.memory_space<hbm>>
        tpu.enqueue_indirect_dma source(%dma_start3A_58 : memref<1000000x128xf32, #tpu.memory_space<hbm>>) target(%dma_start3A_52 : memref<50x128xf32, #tpu.memory_space<vmem>>) offsets(%dma_start3A_55 : memref<50xi32, #tpu.memory_space<vmem>>) semaphore(%arg7 : memref<!tpu.dma_semaphore, #tpu.memory_space<semaphore_mem>>)
        %add3A_59 = arith.constant 2 : i32
        %add3A_60 = arith.addi %mul3A_33, %add3A_59 : i32
        %dma_start3A_61 = arith.constant 0 : i32
        %dma_start3A_62 = arith.constant 100 : i32
        %dma_start3A_63 = arith.constant 0 : i32
        %dma_start3A_64 = tpu.memref_slice %arg6[%dma_start3A_61, %dma_start3A_62, %dma_start3A_63] : memref<2x400x128xf32, #tpu.memory_space<vmem>> -> memref<1x50x128xf32, #tpu.memory_space<vmem>>
        %dma_start3A_65 = tpu.memref_squeeze %dma_start3A_64 : memref<1x50x128xf32, #tpu.memory_space<vmem>> -> memref<50x128xf32, #tpu.memory_space<vmem>>
        %dma_start3A_66 = arith.constant 0 : i32
        %dma_start3A_67 = tpu.memref_slice %arg5[%add3A_60, %dma_start3A_66] : memref<128x50xi32, #tpu.memory_space<vmem>> -> memref<1x50xi32, #tpu.memory_space<vmem>>
        %dma_start3A_68 = tpu.memref_squeeze %dma_start3A_67 : memref<1x50xi32, #tpu.memory_space<vmem>> -> memref<50xi32, #tpu.memory_space<vmem>>
        %dma_start3A_69 = arith.constant 0 : i32
        %dma_start3A_70 = arith.constant 0 : i32
        %dma_start3A_71 = tpu.memref_slice %arg2[%dma_start3A_69, %dma_start3A_70] : memref<1000000x128xf32, #tpu.memory_space<hbm>> -> memref<1000000x128xf32, #tpu.memory_space<hbm>>
        tpu.enqueue_indirect_dma source(%dma_start3A_71 : memref<1000000x128xf32, #tpu.memory_space<hbm>>) target(%dma_start3A_65 : memref<50x128xf32, #tpu.memory_space<vmem>>) offsets(%dma_start3A_68 : memref<50xi32, #tpu.memory_space<vmem>>) semaphore(%arg7 : memref<!tpu.dma_semaphore, #tpu.memory_space<semaphore_mem>>)
        %add3A_72 = arith.constant 3 : i32
        %add3A_73 = arith.addi %mul3A_33, %add3A_72 : i32
        %dma_start3A_74 = arith.constant 0 : i32
        %dma_start3A_75 = arith.constant 150 : i32
        %dma_start3A_76 = arith.constant 0 : i32
        %dma_start3A_77 = tpu.memref_slice %arg6[%dma_start3A_74, %dma_start3A_75, %dma_start3A_76] : memref<2x400x128xf32, #tpu.memory_space<vmem>> -> memref<1x50x128xf32, #tpu.memory_space<vmem>>
        %dma_start3A_78 = tpu.memref_squeeze %dma_start3A_77 : memref<1x50x128xf32, #tpu.memory_space<vmem>> -> memref<50x128xf32, #tpu.memory_space<vmem>>
        %dma_start3A_79 = arith.constant 0 : i32
        %dma_start3A_80 = tpu.memref_slice %arg5[%add3A_73, %dma_start3A_79] : memref<128x50xi32, #tpu.memory_space<vmem>> -> memref<1x50xi32, #tpu.memory_space<vmem>>
        %dma_start3A_81 = tpu.memref_squeeze %dma_start3A_80 : memref<1x50xi32, #tpu.memory_space<vmem>> -> memref<50xi32, #tpu.memory_space<vmem>>
        %dma_start3A_82 = arith.constant 0 : i32
        %dma_start3A_83 = arith.constant 0 : i32
        %dma_start3A_84 = tpu.memref_slice %arg2[%dma_start3A_82, %dma_start3A_83] : memref<1000000x128xf32, #tpu.memory_space<hbm>> -> memref<1000000x128xf32, #tpu.memory_space<hbm>>
        tpu.enqueue_indirect_dma source(%dma_start3A_84 : memref<1000000x128xf32, #tpu.memory_space<hbm>>) target(%dma_start3A_78 : memref<50x128xf32, #tpu.memory_space<vmem>>) offsets(%dma_start3A_81 : memref<50xi32, #tpu.memory_space<vmem>>) semaphore(%arg7 : memref<!tpu.dma_semaphore, #tpu.memory_space<semaphore_mem>>)
        %add3A_85 = arith.constant 4 : i32
        %add3A_86 = arith.addi %mul3A_33, %add3A_85 : i32
        %dma_start3A_87 = arith.constant 0 : i32
        %dma_start3A_88 = arith.constant 200 : i32
        %dma_start3A_89 = arith.constant 0 : i32
        %dma_start3A_90 = tpu.memref_slice %arg6[%dma_start3A_87, %dma_start3A_88, %dma_start3A_89] : memref<2x400x128xf32, #tpu.memory_space<vmem>> -> memref<1x50x128xf32, #tpu.memory_space<vmem>>
        %dma_start3A_91 = tpu.memref_squeeze %dma_start3A_90 : memref<1x50x128xf32, #tpu.memory_space<vmem>> -> memref<50x128xf32, #tpu.memory_space<vmem>>
        %dma_start3A_92 = arith.constant 0 : i32
        %dma_start3A_93 = tpu.memref_slice %arg5[%add3A_86, %dma_start3A_92] : memref<128x50xi32, #tpu.memory_space<vmem>> -> memref<1x50xi32, #tpu.memory_space<vmem>>
        %dma_start3A_94 = tpu.memref_squeeze %dma_start3A_93 : memref<1x50xi32, #tpu.memory_space<vmem>> -> memref<50xi32, #tpu.memory_space<vmem>>
        %dma_start3A_95 = arith.constant 0 : i32
        %dma_start3A_96 = arith.constant 0 : i32
        %dma_start3A_97 = tpu.memref_slice %arg2[%dma_start3A_95, %dma_start3A_96] : memref<1000000x128xf32, #tpu.memory_space<hbm>> -> memref<1000000x128xf32, #tpu.memory_space<hbm>>
        tpu.enqueue_indirect_dma source(%dma_start3A_97 : memref<1000000x128xf32, #tpu.memory_space<hbm>>) target(%dma_start3A_91 : memref<50x128xf32, #tpu.memory_space<vmem>>) offsets(%dma_start3A_94 : memref<50xi32, #tpu.memory_space<vmem>>) semaphore(%arg7 : memref<!tpu.dma_semaphore, #tpu.memory_space<semaphore_mem>>)
        %add3A_98 = arith.constant 5 : i32
        %add3A_99 = arith.addi %mul3A_33, %add3A_98 : i32
        %dma_start3A_100 = arith.constant 0 : i32
        %dma_start3A_101 = arith.constant 250 : i32
        %dma_start3A_102 = arith.constant 0 : i32
        %dma_start3A_103 = tpu.memref_slice %arg6[%dma_start3A_100, %dma_start3A_101, %dma_start3A_102] : memref<2x400x128xf32, #tpu.memory_space<vmem>> -> memref<1x50x128xf32, #tpu.memory_space<vmem>>
        %dma_start3A_104 = tpu.memref_squeeze %dma_start3A_103 : memref<1x50x128xf32, #tpu.memory_space<vmem>> -> memref<50x128xf32, #tpu.memory_space<vmem>>
        %dma_start3A_105 = arith.constant 0 : i32
        %dma_start3A_106 = tpu.memref_slice %arg5[%add3A_99, %dma_start3A_105] : memref<128x50xi32, #tpu.memory_space<vmem>> -> memref<1x50xi32, #tpu.memory_space<vmem>>
        %dma_start3A_107 = tpu.memref_squeeze %dma_start3A_106 : memref<1x50xi32, #tpu.memory_space<vmem>> -> memref<50xi32, #tpu.memory_space<vmem>>
        %dma_start3A_108 = arith.constant 0 : i32
        %dma_start3A_109 = arith.constant 0 : i32
        %dma_start3A_110 = tpu.memref_slice %arg2[%dma_start3A_108, %dma_start3A_109] : memref<1000000x128xf32, #tpu.memory_space<hbm>> -> memref<1000000x128xf32, #tpu.memory_space<hbm>>
        tpu.enqueue_indirect_dma source(%dma_start3A_110 : memref<1000000x128xf32, #tpu.memory_space<hbm>>) target(%dma_start3A_104 : memref<50x128xf32, #tpu.memory_space<vmem>>) offsets(%dma_start3A_107 : memref<50xi32, #tpu.memory_space<vmem>>) semaphore(%arg7 : memref<!tpu.dma_semaphore, #tpu.memory_space<semaphore_mem>>)
        %add3A_111 = arith.constant 6 : i32
        %add3A_112 = arith.addi %mul3A_33, %add3A_111 : i32
        %dma_start3A_113 = arith.constant 0 : i32
        %dma_start3A_114 = arith.constant 300 : i32
        %dma_start3A_115 = arith.constant 0 : i32
        %dma_start3A_116 = tpu.memref_slice %arg6[%dma_start3A_113, %dma_start3A_114, %dma_start3A_115] : memref<2x400x128xf32, #tpu.memory_space<vmem>> -> memref<1x50x128xf32, #tpu.memory_space<vmem>>
        %dma_start3A_117 = tpu.memref_squeeze %dma_start3A_116 : memref<1x50x128xf32, #tpu.memory_space<vmem>> -> memref<50x128xf32, #tpu.memory_space<vmem>>
        %dma_start3A_118 = arith.constant 0 : i32
        %dma_start3A_119 = tpu.memref_slice %arg5[%add3A_112, %dma_start3A_118] : memref<128x50xi32, #tpu.memory_space<vmem>> -> memref<1x50xi32, #tpu.memory_space<vmem>>
        %dma_start3A_120 = tpu.memref_squeeze %dma_start3A_119 : memref<1x50xi32, #tpu.memory_space<vmem>> -> memref<50xi32, #tpu.memory_space<vmem>>
        %dma_start3A_121 = arith.constant 0 : i32
        %dma_start3A_122 = arith.constant 0 : i32
        %dma_start3A_123 = tpu.memref_slice %arg2[%dma_start3A_121, %dma_start3A_122] : memref<1000000x128xf32, #tpu.memory_space<hbm>> -> memref<1000000x128xf32, #tpu.memory_space<hbm>>
        tpu.enqueue_indirect_dma source(%dma_start3A_123 : memref<1000000x128xf32, #tpu.memory_space<hbm>>) target(%dma_start3A_117 : memref<50x128xf32, #tpu.memory_space<vmem>>) offsets(%dma_start3A_120 : memref<50xi32, #tpu.memory_space<vmem>>) semaphore(%arg7 : memref<!tpu.dma_semaphore, #tpu.memory_space<semaphore_mem>>)
        %add3A_124 = arith.constant 7 : i32
        %add3A_125 = arith.addi %mul3A_33, %add3A_124 : i32
        %dma_start3A_126 = arith.constant 0 : i32
        %dma_start3A_127 = arith.constant 350 : i32
        %dma_start3A_128 = arith.constant 0 : i32
        %dma_start3A_129 = tpu.memref_slice %arg6[%dma_start3A_126, %dma_start3A_127, %dma_start3A_128] : memref<2x400x128xf32, #tpu.memory_space<vmem>> -> memref<1x50x128xf32, #tpu.memory_space<vmem>>
        %dma_start3A_130 = tpu.memref_squeeze %dma_start3A_129 : memref<1x50x128xf32, #tpu.memory_space<vmem>> -> memref<50x128xf32, #tpu.memory_space<vmem>>
        %dma_start3A_131 = arith.constant 0 : i32
        %dma_start3A_132 = tpu.memref_slice %arg5[%add3A_125, %dma_start3A_131] : memref<128x50xi32, #tpu.memory_space<vmem>> -> memref<1x50xi32, #tpu.memory_space<vmem>>
        %dma_start3A_133 = tpu.memref_squeeze %dma_start3A_132 : memref<1x50xi32, #tpu.memory_space<vmem>> -> memref<50xi32, #tpu.memory_space<vmem>>
        %dma_start3A_134 = arith.constant 0 : i32
        %dma_start3A_135 = arith.constant 0 : i32
        %dma_start3A_136 = tpu.memref_slice %arg2[%dma_start3A_134, %dma_start3A_135] : memref<1000000x128xf32, #tpu.memory_space<hbm>> -> memref<1000000x128xf32, #tpu.memory_space<hbm>>
        tpu.enqueue_indirect_dma source(%dma_start3A_136 : memref<1000000x128xf32, #tpu.memory_space<hbm>>) target(%dma_start3A_130 : memref<50x128xf32, #tpu.memory_space<vmem>>) offsets(%dma_start3A_133 : memref<50xi32, #tpu.memory_space<vmem>>) semaphore(%arg7 : memref<!tpu.dma_semaphore, #tpu.memory_space<semaphore_mem>>)
        %add3A_137 = arith.constant 8 : i32
        %add3A_138 = arith.addi %mul3A_33, %add3A_137 : i32
        %add3A_139 = arith.constant 0 : i32
        %add3A_140 = arith.addi %add3A_138, %add3A_139 : i32
        %dma_start3A_141 = arith.constant 1 : i32
        %dma_start3A_142 = arith.constant 0 : i32
        %dma_start3A_143 = arith.constant 0 : i32
        %dma_start3A_144 = tpu.memref_slice %arg6[%dma_start3A_141, %dma_start3A_142, %dma_start3A_143] : memref<2x400x128xf32, #tpu.memory_space<vmem>> -> memref<1x50x128xf32, #tpu.memory_space<vmem>>
        %dma_start3A_145 = tpu.memref_squeeze %dma_start3A_144 : memref<1x50x128xf32, #tpu.memory_space<vmem>> -> memref<50x128xf32, #tpu.memory_space<vmem>>
        %dma_start3A_146 = arith.constant 0 : i32
        %dma_start3A_147 = tpu.memref_slice %arg5[%add3A_140, %dma_start3A_146] : memref<128x50xi32, #tpu.memory_space<vmem>> -> memref<1x50xi32, #tpu.memory_space<vmem>>
        %dma_start3A_148 = tpu.memref_squeeze %dma_start3A_147 : memref<1x50xi32, #tpu.memory_space<vmem>> -> memref<50xi32, #tpu.memory_space<vmem>>
        %dma_start3A_149 = arith.constant 0 : i32
        %dma_start3A_150 = arith.constant 0 : i32
        %dma_start3A_151 = tpu.memref_slice %arg2[%dma_start3A_149, %dma_start3A_150] : memref<1000000x128xf32, #tpu.memory_space<hbm>> -> memref<1000000x128xf32, #tpu.memory_space<hbm>>
        tpu.enqueue_indirect_dma source(%dma_start3A_151 : memref<1000000x128xf32, #tpu.memory_space<hbm>>) target(%dma_start3A_145 : memref<50x128xf32, #tpu.memory_space<vmem>>) offsets(%dma_start3A_148 : memref<50xi32, #tpu.memory_space<vmem>>) semaphore(%arg7 : memref<!tpu.dma_semaphore, #tpu.memory_space<semaphore_mem>>)
        %add3A_152 = arith.constant 1 : i32
        %add3A_153 = arith.addi %add3A_138, %add3A_152 : i32
        %dma_start3A_154 = arith.constant 1 : i32
        %dma_start3A_155 = arith.constant 50 : i32
        %dma_start3A_156 = arith.constant 0 : i32
        %dma_start3A_157 = tpu.memref_slice %arg6[%dma_start3A_154, %dma_start3A_155, %dma_start3A_156] : memref<2x400x128xf32, #tpu.memory_space<vmem>> -> memref<1x50x128xf32, #tpu.memory_space<vmem>>
        %dma_start3A_158 = tpu.memref_squeeze %dma_start3A_157 : memref<1x50x128xf32, #tpu.memory_space<vmem>> -> memref<50x128xf32, #tpu.memory_space<vmem>>
        %dma_start3A_159 = arith.constant 0 : i32
        %dma_start3A_160 = tpu.memref_slice %arg5[%add3A_153, %dma_start3A_159] : memref<128x50xi32, #tpu.memory_space<vmem>> -> memref<1x50xi32, #tpu.memory_space<vmem>>
        %dma_start3A_161 = tpu.memref_squeeze %dma_start3A_160 : memref<1x50xi32, #tpu.memory_space<vmem>> -> memref<50xi32, #tpu.memory_space<vmem>>
        %dma_start3A_162 = arith.constant 0 : i32
        %dma_start3A_163 = arith.constant 0 : i32
        %dma_start3A_164 = tpu.memref_slice %arg2[%dma_start3A_162, %dma_start3A_163] : memref<1000000x128xf32, #tpu.memory_space<hbm>> -> memref<1000000x128xf32, #tpu.memory_space<hbm>>
        tpu.enqueue_indirect_dma source(%dma_start3A_164 : memref<1000000x128xf32, #tpu.memory_space<hbm>>) target(%dma_start3A_158 : memref<50x128xf32, #tpu.memory_space<vmem>>) offsets(%dma_start3A_161 : memref<50xi32, #tpu.memory_space<vmem>>) semaphore(%arg7 : memref<!tpu.dma_semaphore, #tpu.memory_space<semaphore_mem>>)
        %add3A_165 = arith.constant 2 : i32
        %add3A_166 = arith.addi %add3A_138, %add3A_165 : i32
        %dma_start3A_167 = arith.constant 1 : i32
        %dma_start3A_168 = arith.constant 100 : i32
        %dma_start3A_169 = arith.constant 0 : i32
        %dma_start3A_170 = tpu.memref_slice %arg6[%dma_start3A_167, %dma_start3A_168, %dma_start3A_169] : memref<2x400x128xf32, #tpu.memory_space<vmem>> -> memref<1x50x128xf32, #tpu.memory_space<vmem>>
        %dma_start3A_171 = tpu.memref_squeeze %dma_start3A_170 : memref<1x50x128xf32, #tpu.memory_space<vmem>> -> memref<50x128xf32, #tpu.memory_space<vmem>>
        %dma_start3A_172 = arith.constant 0 : i32
        %dma_start3A_173 = tpu.memref_slice %arg5[%add3A_166, %dma_start3A_172] : memref<128x50xi32, #tpu.memory_space<vmem>> -> memref<1x50xi32, #tpu.memory_space<vmem>>
        %dma_start3A_174 = tpu.memref_squeeze %dma_start3A_173 : memref<1x50xi32, #tpu.memory_space<vmem>> -> memref<50xi32, #tpu.memory_space<vmem>>
        %dma_start3A_175 = arith.constant 0 : i32
        %dma_start3A_176 = arith.constant 0 : i32
        %dma_start3A_177 = tpu.memref_slice %arg2[%dma_start3A_175, %dma_start3A_176] : memref<1000000x128xf32, #tpu.memory_space<hbm>> -> memref<1000000x128xf32, #tpu.memory_space<hbm>>
        tpu.enqueue_indirect_dma source(%dma_start3A_177 : memref<1000000x128xf32, #tpu.memory_space<hbm>>) target(%dma_start3A_171 : memref<50x128xf32, #tpu.memory_space<vmem>>) offsets(%dma_start3A_174 : memref<50xi32, #tpu.memory_space<vmem>>) semaphore(%arg7 : memref<!tpu.dma_semaphore, #tpu.memory_space<semaphore_mem>>)
        %add3A_178 = arith.constant 3 : i32
        %add3A_179 = arith.addi %add3A_138, %add3A_178 : i32
        %dma_start3A_180 = arith.constant 1 : i32
        %dma_start3A_181 = arith.constant 150 : i32
        %dma_start3A_182 = arith.constant 0 : i32
        %dma_start3A_183 = tpu.memref_slice %arg6[%dma_start3A_180, %dma_start3A_181, %dma_start3A_182] : memref<2x400x128xf32, #tpu.memory_space<vmem>> -> memref<1x50x128xf32, #tpu.memory_space<vmem>>
        %dma_start3A_184 = tpu.memref_squeeze %dma_start3A_183 : memref<1x50x128xf32, #tpu.memory_space<vmem>> -> memref<50x128xf32, #tpu.memory_space<vmem>>
        %dma_start3A_185 = arith.constant 0 : i32
        %dma_start3A_186 = tpu.memref_slice %arg5[%add3A_179, %dma_start3A_185] : memref<128x50xi32, #tpu.memory_space<vmem>> -> memref<1x50xi32, #tpu.memory_space<vmem>>
        %dma_start3A_187 = tpu.memref_squeeze %dma_start3A_186 : memref<1x50xi32, #tpu.memory_space<vmem>> -> memref<50xi32, #tpu.memory_space<vmem>>
        %dma_start3A_188 = arith.constant 0 : i32
        %dma_start3A_189 = arith.constant 0 : i32
        %dma_start3A_190 = tpu.memref_slice %arg2[%dma_start3A_188, %dma_start3A_189] : memref<1000000x128xf32, #tpu.memory_space<hbm>> -> memref<1000000x128xf32, #tpu.memory_space<hbm>>
        tpu.enqueue_indirect_dma source(%dma_start3A_190 : memref<1000000x128xf32, #tpu.memory_space<hbm>>) target(%dma_start3A_184 : memref<50x128xf32, #tpu.memory_space<vmem>>) offsets(%dma_start3A_187 : memref<50xi32, #tpu.memory_space<vmem>>) semaphore(%arg7 : memref<!tpu.dma_semaphore, #tpu.memory_space<semaphore_mem>>)
        %add3A_191 = arith.constant 4 : i32
        %add3A_192 = arith.addi %add3A_138, %add3A_191 : i32
        %dma_start3A_193 = arith.constant 1 : i32
        %dma_start3A_194 = arith.constant 200 : i32
        %dma_start3A_195 = arith.constant 0 : i32
        %dma_start3A_196 = tpu.memref_slice %arg6[%dma_start3A_193, %dma_start3A_194, %dma_start3A_195] : memref<2x400x128xf32, #tpu.memory_space<vmem>> -> memref<1x50x128xf32, #tpu.memory_space<vmem>>
        %dma_start3A_197 = tpu.memref_squeeze %dma_start3A_196 : memref<1x50x128xf32, #tpu.memory_space<vmem>> -> memref<50x128xf32, #tpu.memory_space<vmem>>
        %dma_start3A_198 = arith.constant 0 : i32
        %dma_start3A_199 = tpu.memref_slice %arg5[%add3A_192, %dma_start3A_198] : memref<128x50xi32, #tpu.memory_space<vmem>> -> memref<1x50xi32, #tpu.memory_space<vmem>>
        %dma_start3A_200 = tpu.memref_squeeze %dma_start3A_199 : memref<1x50xi32, #tpu.memory_space<vmem>> -> memref<50xi32, #tpu.memory_space<vmem>>
        %dma_start3A_201 = arith.constant 0 : i32
        %dma_start3A_202 = arith.constant 0 : i32
        %dma_start3A_203 = tpu.memref_slice %arg2[%dma_start3A_201, %dma_start3A_202] : memref<1000000x128xf32, #tpu.memory_space<hbm>> -> memref<1000000x128xf32, #tpu.memory_space<hbm>>
        tpu.enqueue_indirect_dma source(%dma_start3A_203 : memref<1000000x128xf32, #tpu.memory_space<hbm>>) target(%dma_start3A_197 : memref<50x128xf32, #tpu.memory_space<vmem>>) offsets(%dma_start3A_200 : memref<50xi32, #tpu.memory_space<vmem>>) semaphore(%arg7 : memref<!tpu.dma_semaphore, #tpu.memory_space<semaphore_mem>>)
        %add3A_204 = arith.constant 5 : i32
        %add3A_205 = arith.addi %add3A_138, %add3A_204 : i32
        %dma_start3A_206 = arith.constant 1 : i32
        %dma_start3A_207 = arith.constant 250 : i32
        %dma_start3A_208 = arith.constant 0 : i32
        %dma_start3A_209 = tpu.memref_slice %arg6[%dma_start3A_206, %dma_start3A_207, %dma_start3A_208] : memref<2x400x128xf32, #tpu.memory_space<vmem>> -> memref<1x50x128xf32, #tpu.memory_space<vmem>>
        %dma_start3A_210 = tpu.memref_squeeze %dma_start3A_209 : memref<1x50x128xf32, #tpu.memory_space<vmem>> -> memref<50x128xf32, #tpu.memory_space<vmem>>
        %dma_start3A_211 = arith.constant 0 : i32
        %dma_start3A_212 = tpu.memref_slice %arg5[%add3A_205, %dma_start3A_211] : memref<128x50xi32, #tpu.memory_space<vmem>> -> memref<1x50xi32, #tpu.memory_space<vmem>>
        %dma_start3A_213 = tpu.memref_squeeze %dma_start3A_212 : memref<1x50xi32, #tpu.memory_space<vmem>> -> memref<50xi32, #tpu.memory_space<vmem>>
        %dma_start3A_214 = arith.constant 0 : i32
        %dma_start3A_215 = arith.constant 0 : i32
        %dma_start3A_216 = tpu.memref_slice %arg2[%dma_start3A_214, %dma_start3A_215] : memref<1000000x128xf32, #tpu.memory_space<hbm>> -> memref<1000000x128xf32, #tpu.memory_space<hbm>>
        tpu.enqueue_indirect_dma source(%dma_start3A_216 : memref<1000000x128xf32, #tpu.memory_space<hbm>>) target(%dma_start3A_210 : memref<50x128xf32, #tpu.memory_space<vmem>>) offsets(%dma_start3A_213 : memref<50xi32, #tpu.memory_space<vmem>>) semaphore(%arg7 : memref<!tpu.dma_semaphore, #tpu.memory_space<semaphore_mem>>)
        %add3A_217 = arith.constant 6 : i32
        %add3A_218 = arith.addi %add3A_138, %add3A_217 : i32
        %dma_start3A_219 = arith.constant 1 : i32
        %dma_start3A_220 = arith.constant 300 : i32
        %dma_start3A_221 = arith.constant 0 : i32
        %dma_start3A_222 = tpu.memref_slice %arg6[%dma_start3A_219, %dma_start3A_220, %dma_start3A_221] : memref<2x400x128xf32, #tpu.memory_space<vmem>> -> memref<1x50x128xf32, #tpu.memory_space<vmem>>
        %dma_start3A_223 = tpu.memref_squeeze %dma_start3A_222 : memref<1x50x128xf32, #tpu.memory_space<vmem>> -> memref<50x128xf32, #tpu.memory_space<vmem>>
        %dma_start3A_224 = arith.constant 0 : i32
        %dma_start3A_225 = tpu.memref_slice %arg5[%add3A_218, %dma_start3A_224] : memref<128x50xi32, #tpu.memory_space<vmem>> -> memref<1x50xi32, #tpu.memory_space<vmem>>
        %dma_start3A_226 = tpu.memref_squeeze %dma_start3A_225 : memref<1x50xi32, #tpu.memory_space<vmem>> -> memref<50xi32, #tpu.memory_space<vmem>>
        %dma_start3A_227 = arith.constant 0 : i32
        %dma_start3A_228 = arith.constant 0 : i32
        %dma_start3A_229 = tpu.memref_slice %arg2[%dma_start3A_227, %dma_start3A_228] : memref<1000000x128xf32, #tpu.memory_space<hbm>> -> memref<1000000x128xf32, #tpu.memory_space<hbm>>
        tpu.enqueue_indirect_dma source(%dma_start3A_229 : memref<1000000x128xf32, #tpu.memory_space<hbm>>) target(%dma_start3A_223 : memref<50x128xf32, #tpu.memory_space<vmem>>) offsets(%dma_start3A_226 : memref<50xi32, #tpu.memory_space<vmem>>) semaphore(%arg7 : memref<!tpu.dma_semaphore, #tpu.memory_space<semaphore_mem>>)
        %add3A_230 = arith.constant 7 : i32
        %add3A_231 = arith.addi %add3A_138, %add3A_230 : i32
        %dma_start3A_232 = arith.constant 1 : i32
        %dma_start3A_233 = arith.constant 350 : i32
        %dma_start3A_234 = arith.constant 0 : i32
        %dma_start3A_235 = tpu.memref_slice %arg6[%dma_start3A_232, %dma_start3A_233, %dma_start3A_234] : memref<2x400x128xf32, #tpu.memory_space<vmem>> -> memref<1x50x128xf32, #tpu.memory_space<vmem>>
        %dma_start3A_236 = tpu.memref_squeeze %dma_start3A_235 : memref<1x50x128xf32, #tpu.memory_space<vmem>> -> memref<50x128xf32, #tpu.memory_space<vmem>>
        %dma_start3A_237 = arith.constant 0 : i32
        %dma_start3A_238 = tpu.memref_slice %arg5[%add3A_231, %dma_start3A_237] : memref<128x50xi32, #tpu.memory_space<vmem>> -> memref<1x50xi32, #tpu.memory_space<vmem>>
        %dma_start3A_239 = tpu.memref_squeeze %dma_start3A_238 : memref<1x50xi32, #tpu.memory_space<vmem>> -> memref<50xi32, #tpu.memory_space<vmem>>
        %dma_start3A_240 = arith.constant 0 : i32
        %dma_start3A_241 = arith.constant 0 : i32
        %dma_start3A_242 = tpu.memref_slice %arg2[%dma_start3A_240, %dma_start3A_241] : memref<1000000x128xf32, #tpu.memory_space<hbm>> -> memref<1000000x128xf32, #tpu.memory_space<hbm>>
        tpu.enqueue_indirect_dma source(%dma_start3A_242 : memref<1000000x128xf32, #tpu.memory_space<hbm>>) target(%dma_start3A_236 : memref<50x128xf32, #tpu.memory_space<vmem>>) offsets(%dma_start3A_239 : memref<50xi32, #tpu.memory_space<vmem>>) semaphore(%arg7 : memref<!tpu.dma_semaphore, #tpu.memory_space<semaphore_mem>>)
        %dma_wait3A = arith.constant 0 : i32
        %dma_wait3A_243 = arith.constant 0 : i32
        %dma_wait3A_244 = arith.constant 0 : i32
        %dma_wait3A_245 = tpu.memref_slice %arg6[%dma_wait3A, %dma_wait3A_243, %dma_wait3A_244] : memref<2x400x128xf32, #tpu.memory_space<vmem>> -> memref<1x50x128xf32, #tpu.memory_space<vmem>>
        %dma_wait3A_246 = tpu.memref_squeeze %dma_wait3A_245 : memref<1x50x128xf32, #tpu.memory_space<vmem>> -> memref<50x128xf32, #tpu.memory_space<vmem>>
        %dma_wait3A_247 = arith.constant 0 : i32
        %dma_wait3A_248 = tpu.memref_slice %arg5[%add3A_35, %dma_wait3A_247] : memref<128x50xi32, #tpu.memory_space<vmem>> -> memref<1x50xi32, #tpu.memory_space<vmem>>
        %dma_wait3A_249 = tpu.memref_squeeze %dma_wait3A_248 : memref<1x50xi32, #tpu.memory_space<vmem>> -> memref<50xi32, #tpu.memory_space<vmem>>
        %dma_wait3A_250 = arith.constant 0 : i32
        %dma_wait3A_251 = arith.constant 0 : i32
        %dma_wait3A_252 = tpu.memref_slice %arg2[%dma_wait3A_250, %dma_wait3A_251] : memref<1000000x128xf32, #tpu.memory_space<hbm>> -> memref<1000000x128xf32, #tpu.memory_space<hbm>>
        tpu.wait_indirect_dma semaphore(%arg7 : memref<!tpu.dma_semaphore, #tpu.memory_space<semaphore_mem>>) src(%dma_wait3A_252 : memref<1000000x128xf32, #tpu.memory_space<hbm>>) dst(%dma_wait3A_246 : memref<50x128xf32, #tpu.memory_space<vmem>>)
        %dma_wait3A_253 = arith.constant 0 : i32
        %dma_wait3A_254 = arith.constant 50 : i32
        %dma_wait3A_255 = arith.constant 0 : i32
        %dma_wait3A_256 = tpu.memref_slice %arg6[%dma_wait3A_253, %dma_wait3A_254, %dma_wait3A_255] : memref<2x400x128xf32, #tpu.memory_space<vmem>> -> memref<1x50x128xf32, #tpu.memory_space<vmem>>
        %dma_wait3A_257 = tpu.memref_squeeze %dma_wait3A_256 : memref<1x50x128xf32, #tpu.memory_space<vmem>> -> memref<50x128xf32, #tpu.memory_space<vmem>>
        %dma_wait3A_258 = arith.constant 0 : i32
        %dma_wait3A_259 = tpu.memref_slice %arg5[%add3A_47, %dma_wait3A_258] : memref<128x50xi32, #tpu.memory_space<vmem>> -> memref<1x50xi32, #tpu.memory_space<vmem>>
        %dma_wait3A_260 = tpu.memref_squeeze %dma_wait3A_259 : memref<1x50xi32, #tpu.memory_space<vmem>> -> memref<50xi32, #tpu.memory_space<vmem>>
        %dma_wait3A_261 = arith.constant 0 : i32
        %dma_wait3A_262 = arith.constant 0 : i32
        %dma_wait3A_263 = tpu.memref_slice %arg2[%dma_wait3A_261, %dma_wait3A_262] : memref<1000000x128xf32, #tpu.memory_space<hbm>> -> memref<1000000x128xf32, #tpu.memory_space<hbm>>
        tpu.wait_indirect_dma semaphore(%arg7 : memref<!tpu.dma_semaphore, #tpu.memory_space<semaphore_mem>>) src(%dma_wait3A_263 : memref<1000000x128xf32, #tpu.memory_space<hbm>>) dst(%dma_wait3A_257 : memref<50x128xf32, #tpu.memory_space<vmem>>)
        %dma_wait3A_264 = arith.constant 0 : i32
        %dma_wait3A_265 = arith.constant 100 : i32
        %dma_wait3A_266 = arith.constant 0 : i32
        %dma_wait3A_267 = tpu.memref_slice %arg6[%dma_wait3A_264, %dma_wait3A_265, %dma_wait3A_266] : memref<2x400x128xf32, #tpu.memory_space<vmem>> -> memref<1x50x128xf32, #tpu.memory_space<vmem>>
        %dma_wait3A_268 = tpu.memref_squeeze %dma_wait3A_267 : memref<1x50x128xf32, #tpu.memory_space<vmem>> -> memref<50x128xf32, #tpu.memory_space<vmem>>
        %dma_wait3A_269 = arith.constant 0 : i32
        %dma_wait3A_270 = tpu.memref_slice %arg5[%add3A_60, %dma_wait3A_269] : memref<128x50xi32, #tpu.memory_space<vmem>> -> memref<1x50xi32, #tpu.memory_space<vmem>>
        %dma_wait3A_271 = tpu.memref_squeeze %dma_wait3A_270 : memref<1x50xi32, #tpu.memory_space<vmem>> -> memref<50xi32, #tpu.memory_space<vmem>>
        %dma_wait3A_272 = arith.constant 0 : i32
        %dma_wait3A_273 = arith.constant 0 : i32
        %dma_wait3A_274 = tpu.memref_slice %arg2[%dma_wait3A_272, %dma_wait3A_273] : memref<1000000x128xf32, #tpu.memory_space<hbm>> -> memref<1000000x128xf32, #tpu.memory_space<hbm>>
        tpu.wait_indirect_dma semaphore(%arg7 : memref<!tpu.dma_semaphore, #tpu.memory_space<semaphore_mem>>) src(%dma_wait3A_274 : memref<1000000x128xf32, #tpu.memory_space<hbm>>) dst(%dma_wait3A_268 : memref<50x128xf32, #tpu.memory_space<vmem>>)
        %dma_wait3A_275 = arith.constant 0 : i32
        %dma_wait3A_276 = arith.constant 150 : i32
        %dma_wait3A_277 = arith.constant 0 : i32
        %dma_wait3A_278 = tpu.memref_slice %arg6[%dma_wait3A_275, %dma_wait3A_276, %dma_wait3A_277] : memref<2x400x128xf32, #tpu.memory_space<vmem>> -> memref<1x50x128xf32, #tpu.memory_space<vmem>>
        %dma_wait3A_279 = tpu.memref_squeeze %dma_wait3A_278 : memref<1x50x128xf32, #tpu.memory_space<vmem>> -> memref<50x128xf32, #tpu.memory_space<vmem>>
        %dma_wait3A_280 = arith.constant 0 : i32
        %dma_wait3A_281 = tpu.memref_slice %arg5[%add3A_73, %dma_wait3A_280] : memref<128x50xi32, #tpu.memory_space<vmem>> -> memref<1x50xi32, #tpu.memory_space<vmem>>
        %dma_wait3A_282 = tpu.memref_squeeze %dma_wait3A_281 : memref<1x50xi32, #tpu.memory_space<vmem>> -> memref<50xi32, #tpu.memory_space<vmem>>
        %dma_wait3A_283 = arith.constant 0 : i32
        %dma_wait3A_284 = arith.constant 0 : i32
        %dma_wait3A_285 = tpu.memref_slice %arg2[%dma_wait3A_283, %dma_wait3A_284] : memref<1000000x128xf32, #tpu.memory_space<hbm>> -> memref<1000000x128xf32, #tpu.memory_space<hbm>>
        tpu.wait_indirect_dma semaphore(%arg7 : memref<!tpu.dma_semaphore, #tpu.memory_space<semaphore_mem>>) src(%dma_wait3A_285 : memref<1000000x128xf32, #tpu.memory_space<hbm>>) dst(%dma_wait3A_279 : memref<50x128xf32, #tpu.memory_space<vmem>>)
        %dma_wait3A_286 = arith.constant 0 : i32
        %dma_wait3A_287 = arith.constant 200 : i32
        %dma_wait3A_288 = arith.constant 0 : i32
        %dma_wait3A_289 = tpu.memref_slice %arg6[%dma_wait3A_286, %dma_wait3A_287, %dma_wait3A_288] : memref<2x400x128xf32, #tpu.memory_space<vmem>> -> memref<1x50x128xf32, #tpu.memory_space<vmem>>
        %dma_wait3A_290 = tpu.memref_squeeze %dma_wait3A_289 : memref<1x50x128xf32, #tpu.memory_space<vmem>> -> memref<50x128xf32, #tpu.memory_space<vmem>>
        %dma_wait3A_291 = arith.constant 0 : i32
        %dma_wait3A_292 = tpu.memref_slice %arg5[%add3A_86, %dma_wait3A_291] : memref<128x50xi32, #tpu.memory_space<vmem>> -> memref<1x50xi32, #tpu.memory_space<vmem>>
        %dma_wait3A_293 = tpu.memref_squeeze %dma_wait3A_292 : memref<1x50xi32, #tpu.memory_space<vmem>> -> memref<50xi32, #tpu.memory_space<vmem>>
        %dma_wait3A_294 = arith.constant 0 : i32
        %dma_wait3A_295 = arith.constant 0 : i32
        %dma_wait3A_296 = tpu.memref_slice %arg2[%dma_wait3A_294, %dma_wait3A_295] : memref<1000000x128xf32, #tpu.memory_space<hbm>> -> memref<1000000x128xf32, #tpu.memory_space<hbm>>
        tpu.wait_indirect_dma semaphore(%arg7 : memref<!tpu.dma_semaphore, #tpu.memory_space<semaphore_mem>>) src(%dma_wait3A_296 : memref<1000000x128xf32, #tpu.memory_space<hbm>>) dst(%dma_wait3A_290 : memref<50x128xf32, #tpu.memory_space<vmem>>)
        %dma_wait3A_297 = arith.constant 0 : i32
        %dma_wait3A_298 = arith.constant 250 : i32
        %dma_wait3A_299 = arith.constant 0 : i32
        %dma_wait3A_300 = tpu.memref_slice %arg6[%dma_wait3A_297, %dma_wait3A_298, %dma_wait3A_299] : memref<2x400x128xf32, #tpu.memory_space<vmem>> -> memref<1x50x128xf32, #tpu.memory_space<vmem>>
        %dma_wait3A_301 = tpu.memref_squeeze %dma_wait3A_300 : memref<1x50x128xf32, #tpu.memory_space<vmem>> -> memref<50x128xf32, #tpu.memory_space<vmem>>
        %dma_wait3A_302 = arith.constant 0 : i32
        %dma_wait3A_303 = tpu.memref_slice %arg5[%add3A_99, %dma_wait3A_302] : memref<128x50xi32, #tpu.memory_space<vmem>> -> memref<1x50xi32, #tpu.memory_space<vmem>>
        %dma_wait3A_304 = tpu.memref_squeeze %dma_wait3A_303 : memref<1x50xi32, #tpu.memory_space<vmem>> -> memref<50xi32, #tpu.memory_space<vmem>>
        %dma_wait3A_305 = arith.constant 0 : i32
        %dma_wait3A_306 = arith.constant 0 : i32
        %dma_wait3A_307 = tpu.memref_slice %arg2[%dma_wait3A_305, %dma_wait3A_306] : memref<1000000x128xf32, #tpu.memory_space<hbm>> -> memref<1000000x128xf32, #tpu.memory_space<hbm>>
        tpu.wait_indirect_dma semaphore(%arg7 : memref<!tpu.dma_semaphore, #tpu.memory_space<semaphore_mem>>) src(%dma_wait3A_307 : memref<1000000x128xf32, #tpu.memory_space<hbm>>) dst(%dma_wait3A_301 : memref<50x128xf32, #tpu.memory_space<vmem>>)
        %dma_wait3A_308 = arith.constant 0 : i32
        %dma_wait3A_309 = arith.constant 300 : i32
        %dma_wait3A_310 = arith.constant 0 : i32
        %dma_wait3A_311 = tpu.memref_slice %arg6[%dma_wait3A_308, %dma_wait3A_309, %dma_wait3A_310] : memref<2x400x128xf32, #tpu.memory_space<vmem>> -> memref<1x50x128xf32, #tpu.memory_space<vmem>>
        %dma_wait3A_312 = tpu.memref_squeeze %dma_wait3A_311 : memref<1x50x128xf32, #tpu.memory_space<vmem>> -> memref<50x128xf32, #tpu.memory_space<vmem>>
        %dma_wait3A_313 = arith.constant 0 : i32
        %dma_wait3A_314 = tpu.memref_slice %arg5[%add3A_112, %dma_wait3A_313] : memref<128x50xi32, #tpu.memory_space<vmem>> -> memref<1x50xi32, #tpu.memory_space<vmem>>
        %dma_wait3A_315 = tpu.memref_squeeze %dma_wait3A_314 : memref<1x50xi32, #tpu.memory_space<vmem>> -> memref<50xi32, #tpu.memory_space<vmem>>
        %dma_wait3A_316 = arith.constant 0 : i32
        %dma_wait3A_317 = arith.constant 0 : i32
        %dma_wait3A_318 = tpu.memref_slice %arg2[%dma_wait3A_316, %dma_wait3A_317] : memref<1000000x128xf32, #tpu.memory_space<hbm>> -> memref<1000000x128xf32, #tpu.memory_space<hbm>>
        tpu.wait_indirect_dma semaphore(%arg7 : memref<!tpu.dma_semaphore, #tpu.memory_space<semaphore_mem>>) src(%dma_wait3A_318 : memref<1000000x128xf32, #tpu.memory_space<hbm>>) dst(%dma_wait3A_312 : memref<50x128xf32, #tpu.memory_space<vmem>>)
        %dma_wait3A_319 = arith.constant 0 : i32
        %dma_wait3A_320 = arith.constant 350 : i32
        %dma_wait3A_321 = arith.constant 0 : i32
        %dma_wait3A_322 = tpu.memref_slice %arg6[%dma_wait3A_319, %dma_wait3A_320, %dma_wait3A_321] : memref<2x400x128xf32, #tpu.memory_space<vmem>> -> memref<1x50x128xf32, #tpu.memory_space<vmem>>
        %dma_wait3A_323 = tpu.memref_squeeze %dma_wait3A_322 : memref<1x50x128xf32, #tpu.memory_space<vmem>> -> memref<50x128xf32, #tpu.memory_space<vmem>>
        %dma_wait3A_324 = arith.constant 0 : i32
        %dma_wait3A_325 = tpu.memref_slice %arg5[%add3A_125, %dma_wait3A_324] : memref<128x50xi32, #tpu.memory_space<vmem>> -> memref<1x50xi32, #tpu.memory_space<vmem>>
        %dma_wait3A_326 = tpu.memref_squeeze %dma_wait3A_325 : memref<1x50xi32, #tpu.memory_space<vmem>> -> memref<50xi32, #tpu.memory_space<vmem>>
        %dma_wait3A_327 = arith.constant 0 : i32
        %dma_wait3A_328 = arith.constant 0 : i32
        %dma_wait3A_329 = tpu.memref_slice %arg2[%dma_wait3A_327, %dma_wait3A_328] : memref<1000000x128xf32, #tpu.memory_space<hbm>> -> memref<1000000x128xf32, #tpu.memory_space<hbm>>
        tpu.wait_indirect_dma semaphore(%arg7 : memref<!tpu.dma_semaphore, #tpu.memory_space<semaphore_mem>>) src(%dma_wait3A_329 : memref<1000000x128xf32, #tpu.memory_space<hbm>>) dst(%dma_wait3A_323 : memref<50x128xf32, #tpu.memory_space<vmem>>)
        %add3A_330 = arith.constant 0 : i32
        %add3A_331 = arith.addi %add3A_29, %add3A_330 : i32
        %dma_start3A_332 = arith.constant 0 : i32
        %dma_start3A_333 = arith.constant 0 : i32
        %dma_start3A_334 = arith.constant 0 : i32
        %dma_start3A_335 = tpu.memref_slice %arg6[%dma_start3A_332, %dma_start3A_333, %dma_start3A_334] : memref<2x400x128xf32, #tpu.memory_space<vmem>> -> memref<1x50x128xf32, #tpu.memory_space<vmem>>
        %dma_start3A_336 = tpu.memref_squeeze %dma_start3A_335 : memref<1x50x128xf32, #tpu.memory_space<vmem>> -> memref<50x128xf32, #tpu.memory_space<vmem>>
        %dma_start3A_337 = arith.constant 0 : i32
        %dma_start3A_338 = arith.constant 0 : i32
        %dma_start3A_339 = tpu.memref_slice %arg4[%add3A_331, %dma_start3A_337, %dma_start3A_338] : memref<16384x50x128xf32, #tpu.memory_space<hbm>> -> memref<1x50x128xf32, #tpu.memory_space<hbm>>
        %dma_start3A_340 = tpu.memref_squeeze %dma_start3A_339 : memref<1x50x128xf32, #tpu.memory_space<hbm>> -> memref<50x128xf32, #tpu.memory_space<hbm>>
        %dma_start3A_341 = arith.constant 0 : i32
        %dma_start3A_342 = arith.constant 0 : i32
        %dma_start3A_343 = tpu.memref_slice %arg4[%add3A_331, %dma_start3A_341, %dma_start3A_342] : memref<16384x50x128xf32, #tpu.memory_space<hbm>> -> memref<1x50x128xf32, #tpu.memory_space<hbm>>
        %dma_start3A_344 = tpu.memref_squeeze %dma_start3A_343 : memref<1x50x128xf32, #tpu.memory_space<hbm>> -> memref<50x128xf32, #tpu.memory_space<hbm>>
        %dma_start3A_345 = arith.constant 0 : i32
        %dma_start3A_346 = arith.constant 0 : i32
        %dma_start3A_347 = tpu.memref_slice %arg6[%dma_start3A_332, %dma_start3A_345, %dma_start3A_346] : memref<2x400x128xf32, #tpu.memory_space<vmem>> -> memref<1x50x128xf32, #tpu.memory_space<vmem>>
        %dma_start3A_348 = tpu.memref_squeeze %dma_start3A_347 : memref<1x50x128xf32, #tpu.memory_space<vmem>> -> memref<50x128xf32, #tpu.memory_space<vmem>>
        tpu.enqueue_dma source(%dma_start3A_348 : memref<50x128xf32, #tpu.memory_space<vmem>>) target(%dma_start3A_344 : memref<50x128xf32, #tpu.memory_space<hbm>>) target_semaphore(%arg8 : memref<!tpu.dma_semaphore, #tpu.memory_space<semaphore_mem>>)
        %add3A_349 = arith.constant 1 : i32
        %add3A_350 = arith.addi %add3A_29, %add3A_349 : i32
        %dma_start3A_351 = arith.constant 0 : i32
        %dma_start3A_352 = arith.constant 50 : i32
        %dma_start3A_353 = arith.constant 0 : i32
        %dma_start3A_354 = tpu.memref_slice %arg6[%dma_start3A_351, %dma_start3A_352, %dma_start3A_353] : memref<2x400x128xf32, #tpu.memory_space<vmem>> -> memref<1x50x128xf32, #tpu.memory_space<vmem>>
        %dma_start3A_355 = tpu.memref_squeeze %dma_start3A_354 : memref<1x50x128xf32, #tpu.memory_space<vmem>> -> memref<50x128xf32, #tpu.memory_space<vmem>>
        %dma_start3A_356 = arith.constant 0 : i32
        %dma_start3A_357 = arith.constant 0 : i32
        %dma_start3A_358 = tpu.memref_slice %arg4[%add3A_350, %dma_start3A_356, %dma_start3A_357] : memref<16384x50x128xf32, #tpu.memory_space<hbm>> -> memref<1x50x128xf32, #tpu.memory_space<hbm>>
        %dma_start3A_359 = tpu.memref_squeeze %dma_start3A_358 : memref<1x50x128xf32, #tpu.memory_space<hbm>> -> memref<50x128xf32, #tpu.memory_space<hbm>>
        %dma_start3A_360 = arith.constant 0 : i32
        %dma_start3A_361 = arith.constant 0 : i32
        %dma_start3A_362 = tpu.memref_slice %arg4[%add3A_350, %dma_start3A_360, %dma_start3A_361] : memref<16384x50x128xf32, #tpu.memory_space<hbm>> -> memref<1x50x128xf32, #tpu.memory_space<hbm>>
        %dma_start3A_363 = tpu.memref_squeeze %dma_start3A_362 : memref<1x50x128xf32, #tpu.memory_space<hbm>> -> memref<50x128xf32, #tpu.memory_space<hbm>>
        %dma_start3A_364 = arith.constant 50 : i32
        %dma_start3A_365 = arith.constant 0 : i32
        %dma_start3A_366 = tpu.memref_slice %arg6[%dma_start3A_351, %dma_start3A_364, %dma_start3A_365] : memref<2x400x128xf32, #tpu.memory_space<vmem>> -> memref<1x50x128xf32, #tpu.memory_space<vmem>>
        %dma_start3A_367 = tpu.memref_squeeze %dma_start3A_366 : memref<1x50x128xf32, #tpu.memory_space<vmem>> -> memref<50x128xf32, #tpu.memory_space<vmem>>
        tpu.enqueue_dma source(%dma_start3A_367 : memref<50x128xf32, #tpu.memory_space<vmem>>) target(%dma_start3A_363 : memref<50x128xf32, #tpu.memory_space<hbm>>) target_semaphore(%arg8 : memref<!tpu.dma_semaphore, #tpu.memory_space<semaphore_mem>>)
        %add3A_368 = arith.constant 2 : i32
        %add3A_369 = arith.addi %add3A_29, %add3A_368 : i32
        %dma_start3A_370 = arith.constant 0 : i32
        %dma_start3A_371 = arith.constant 100 : i32
        %dma_start3A_372 = arith.constant 0 : i32
        %dma_start3A_373 = tpu.memref_slice %arg6[%dma_start3A_370, %dma_start3A_371, %dma_start3A_372] : memref<2x400x128xf32, #tpu.memory_space<vmem>> -> memref<1x50x128xf32, #tpu.memory_space<vmem>>
        %dma_start3A_374 = tpu.memref_squeeze %dma_start3A_373 : memref<1x50x128xf32, #tpu.memory_space<vmem>> -> memref<50x128xf32, #tpu.memory_space<vmem>>
        %dma_start3A_375 = arith.constant 0 : i32
        %dma_start3A_376 = arith.constant 0 : i32
        %dma_start3A_377 = tpu.memref_slice %arg4[%add3A_369, %dma_start3A_375, %dma_start3A_376] : memref<16384x50x128xf32, #tpu.memory_space<hbm>> -> memref<1x50x128xf32, #tpu.memory_space<hbm>>
        %dma_start3A_378 = tpu.memref_squeeze %dma_start3A_377 : memref<1x50x128xf32, #tpu.memory_space<hbm>> -> memref<50x128xf32, #tpu.memory_space<hbm>>
        %dma_start3A_379 = arith.constant 0 : i32
        %dma_start3A_380 = arith.constant 0 : i32
        %dma_start3A_381 = tpu.memref_slice %arg4[%add3A_369, %dma_start3A_379, %dma_start3A_380] : memref<16384x50x128xf32, #tpu.memory_space<hbm>> -> memref<1x50x128xf32, #tpu.memory_space<hbm>>
        %dma_start3A_382 = tpu.memref_squeeze %dma_start3A_381 : memref<1x50x128xf32, #tpu.memory_space<hbm>> -> memref<50x128xf32, #tpu.memory_space<hbm>>
        %dma_start3A_383 = arith.constant 100 : i32
        %dma_start3A_384 = arith.constant 0 : i32
        %dma_start3A_385 = tpu.memref_slice %arg6[%dma_start3A_370, %dma_start3A_383, %dma_start3A_384] : memref<2x400x128xf32, #tpu.memory_space<vmem>> -> memref<1x50x128xf32, #tpu.memory_space<vmem>>
        %dma_start3A_386 = tpu.memref_squeeze %dma_start3A_385 : memref<1x50x128xf32, #tpu.memory_space<vmem>> -> memref<50x128xf32, #tpu.memory_space<vmem>>
        tpu.enqueue_dma source(%dma_start3A_386 : memref<50x128xf32, #tpu.memory_space<vmem>>) target(%dma_start3A_382 : memref<50x128xf32, #tpu.memory_space<hbm>>) target_semaphore(%arg8 : memref<!tpu.dma_semaphore, #tpu.memory_space<semaphore_mem>>)
        %add3A_387 = arith.constant 3 : i32
        %add3A_388 = arith.addi %add3A_29, %add3A_387 : i32
        %dma_start3A_389 = arith.constant 0 : i32
        %dma_start3A_390 = arith.constant 150 : i32
        %dma_start3A_391 = arith.constant 0 : i32
        %dma_start3A_392 = tpu.memref_slice %arg6[%dma_start3A_389, %dma_start3A_390, %dma_start3A_391] : memref<2x400x128xf32, #tpu.memory_space<vmem>> -> memref<1x50x128xf32, #tpu.memory_space<vmem>>
        %dma_start3A_393 = tpu.memref_squeeze %dma_start3A_392 : memref<1x50x128xf32, #tpu.memory_space<vmem>> -> memref<50x128xf32, #tpu.memory_space<vmem>>
        %dma_start3A_394 = arith.constant 0 : i32
        %dma_start3A_395 = arith.constant 0 : i32
        %dma_start3A_396 = tpu.memref_slice %arg4[%add3A_388, %dma_start3A_394, %dma_start3A_395] : memref<16384x50x128xf32, #tpu.memory_space<hbm>> -> memref<1x50x128xf32, #tpu.memory_space<hbm>>
        %dma_start3A_397 = tpu.memref_squeeze %dma_start3A_396 : memref<1x50x128xf32, #tpu.memory_space<hbm>> -> memref<50x128xf32, #tpu.memory_space<hbm>>
        %dma_start3A_398 = arith.constant 0 : i32
        %dma_start3A_399 = arith.constant 0 : i32
        %dma_start3A_400 = tpu.memref_slice %arg4[%add3A_388, %dma_start3A_398, %dma_start3A_399] : memref<16384x50x128xf32, #tpu.memory_space<hbm>> -> memref<1x50x128xf32, #tpu.memory_space<hbm>>
        %dma_start3A_401 = tpu.memref_squeeze %dma_start3A_400 : memref<1x50x128xf32, #tpu.memory_space<hbm>> -> memref<50x128xf32, #tpu.memory_space<hbm>>
        %dma_start3A_402 = arith.constant 150 : i32
        %dma_start3A_403 = arith.constant 0 : i32
        %dma_start3A_404 = tpu.memref_slice %arg6[%dma_start3A_389, %dma_start3A_402, %dma_start3A_403] : memref<2x400x128xf32, #tpu.memory_space<vmem>> -> memref<1x50x128xf32, #tpu.memory_space<vmem>>
        %dma_start3A_405 = tpu.memref_squeeze %dma_start3A_404 : memref<1x50x128xf32, #tpu.memory_space<vmem>> -> memref<50x128xf32, #tpu.memory_space<vmem>>
        tpu.enqueue_dma source(%dma_start3A_405 : memref<50x128xf32, #tpu.memory_space<vmem>>) target(%dma_start3A_401 : memref<50x128xf32, #tpu.memory_space<hbm>>) target_semaphore(%arg8 : memref<!tpu.dma_semaphore, #tpu.memory_space<semaphore_mem>>)
        %add3A_406 = arith.constant 4 : i32
        %add3A_407 = arith.addi %add3A_29, %add3A_406 : i32
        %dma_start3A_408 = arith.constant 0 : i32
        %dma_start3A_409 = arith.constant 200 : i32
        %dma_start3A_410 = arith.constant 0 : i32
        %dma_start3A_411 = tpu.memref_slice %arg6[%dma_start3A_408, %dma_start3A_409, %dma_start3A_410] : memref<2x400x128xf32, #tpu.memory_space<vmem>> -> memref<1x50x128xf32, #tpu.memory_space<vmem>>
        %dma_start3A_412 = tpu.memref_squeeze %dma_start3A_411 : memref<1x50x128xf32, #tpu.memory_space<vmem>> -> memref<50x128xf32, #tpu.memory_space<vmem>>
        %dma_start3A_413 = arith.constant 0 : i32
        %dma_start3A_414 = arith.constant 0 : i32
        %dma_start3A_415 = tpu.memref_slice %arg4[%add3A_407, %dma_start3A_413, %dma_start3A_414] : memref<16384x50x128xf32, #tpu.memory_space<hbm>> -> memref<1x50x128xf32, #tpu.memory_space<hbm>>
        %dma_start3A_416 = tpu.memref_squeeze %dma_start3A_415 : memref<1x50x128xf32, #tpu.memory_space<hbm>> -> memref<50x128xf32, #tpu.memory_space<hbm>>
        %dma_start3A_417 = arith.constant 0 : i32
        %dma_start3A_418 = arith.constant 0 : i32
        %dma_start3A_419 = tpu.memref_slice %arg4[%add3A_407, %dma_start3A_417, %dma_start3A_418] : memref<16384x50x128xf32, #tpu.memory_space<hbm>> -> memref<1x50x128xf32, #tpu.memory_space<hbm>>
        %dma_start3A_420 = tpu.memref_squeeze %dma_start3A_419 : memref<1x50x128xf32, #tpu.memory_space<hbm>> -> memref<50x128xf32, #tpu.memory_space<hbm>>
        %dma_start3A_421 = arith.constant 200 : i32
        %dma_start3A_422 = arith.constant 0 : i32
        %dma_start3A_423 = tpu.memref_slice %arg6[%dma_start3A_408, %dma_start3A_421, %dma_start3A_422] : memref<2x400x128xf32, #tpu.memory_space<vmem>> -> memref<1x50x128xf32, #tpu.memory_space<vmem>>
        %dma_start3A_424 = tpu.memref_squeeze %dma_start3A_423 : memref<1x50x128xf32, #tpu.memory_space<vmem>> -> memref<50x128xf32, #tpu.memory_space<vmem>>
        tpu.enqueue_dma source(%dma_start3A_424 : memref<50x128xf32, #tpu.memory_space<vmem>>) target(%dma_start3A_420 : memref<50x128xf32, #tpu.memory_space<hbm>>) target_semaphore(%arg8 : memref<!tpu.dma_semaphore, #tpu.memory_space<semaphore_mem>>)
        %add3A_425 = arith.constant 5 : i32
        %add3A_426 = arith.addi %add3A_29, %add3A_425 : i32
        %dma_start3A_427 = arith.constant 0 : i32
        %dma_start3A_428 = arith.constant 250 : i32
        %dma_start3A_429 = arith.constant 0 : i32
        %dma_start3A_430 = tpu.memref_slice %arg6[%dma_start3A_427, %dma_start3A_428, %dma_start3A_429] : memref<2x400x128xf32, #tpu.memory_space<vmem>> -> memref<1x50x128xf32, #tpu.memory_space<vmem>>
        %dma_start3A_431 = tpu.memref_squeeze %dma_start3A_430 : memref<1x50x128xf32, #tpu.memory_space<vmem>> -> memref<50x128xf32, #tpu.memory_space<vmem>>
        %dma_start3A_432 = arith.constant 0 : i32
        %dma_start3A_433 = arith.constant 0 : i32
        %dma_start3A_434 = tpu.memref_slice %arg4[%add3A_426, %dma_start3A_432, %dma_start3A_433] : memref<16384x50x128xf32, #tpu.memory_space<hbm>> -> memref<1x50x128xf32, #tpu.memory_space<hbm>>
        %dma_start3A_435 = tpu.memref_squeeze %dma_start3A_434 : memref<1x50x128xf32, #tpu.memory_space<hbm>> -> memref<50x128xf32, #tpu.memory_space<hbm>>
        %dma_start3A_436 = arith.constant 0 : i32
        %dma_start3A_437 = arith.constant 0 : i32
        %dma_start3A_438 = tpu.memref_slice %arg4[%add3A_426, %dma_start3A_436, %dma_start3A_437] : memref<16384x50x128xf32, #tpu.memory_space<hbm>> -> memref<1x50x128xf32, #tpu.memory_space<hbm>>
        %dma_start3A_439 = tpu.memref_squeeze %dma_start3A_438 : memref<1x50x128xf32, #tpu.memory_space<hbm>> -> memref<50x128xf32, #tpu.memory_space<hbm>>
        %dma_start3A_440 = arith.constant 250 : i32
        %dma_start3A_441 = arith.constant 0 : i32
        %dma_start3A_442 = tpu.memref_slice %arg6[%dma_start3A_427, %dma_start3A_440, %dma_start3A_441] : memref<2x400x128xf32, #tpu.memory_space<vmem>> -> memref<1x50x128xf32, #tpu.memory_space<vmem>>
        %dma_start3A_443 = tpu.memref_squeeze %dma_start3A_442 : memref<1x50x128xf32, #tpu.memory_space<vmem>> -> memref<50x128xf32, #tpu.memory_space<vmem>>
        tpu.enqueue_dma source(%dma_start3A_443 : memref<50x128xf32, #tpu.memory_space<vmem>>) target(%dma_start3A_439 : memref<50x128xf32, #tpu.memory_space<hbm>>) target_semaphore(%arg8 : memref<!tpu.dma_semaphore, #tpu.memory_space<semaphore_mem>>)
        %add3A_444 = arith.constant 6 : i32
        %add3A_445 = arith.addi %add3A_29, %add3A_444 : i32
        %dma_start3A_446 = arith.constant 0 : i32
        %dma_start3A_447 = arith.constant 300 : i32
        %dma_start3A_448 = arith.constant 0 : i32
        %dma_start3A_449 = tpu.memref_slice %arg6[%dma_start3A_446, %dma_start3A_447, %dma_start3A_448] : memref<2x400x128xf32, #tpu.memory_space<vmem>> -> memref<1x50x128xf32, #tpu.memory_space<vmem>>
        %dma_start3A_450 = tpu.memref_squeeze %dma_start3A_449 : memref<1x50x128xf32, #tpu.memory_space<vmem>> -> memref<50x128xf32, #tpu.memory_space<vmem>>
        %dma_start3A_451 = arith.constant 0 : i32
        %dma_start3A_452 = arith.constant 0 : i32
        %dma_start3A_453 = tpu.memref_slice %arg4[%add3A_445, %dma_start3A_451, %dma_start3A_452] : memref<16384x50x128xf32, #tpu.memory_space<hbm>> -> memref<1x50x128xf32, #tpu.memory_space<hbm>>
        %dma_start3A_454 = tpu.memref_squeeze %dma_start3A_453 : memref<1x50x128xf32, #tpu.memory_space<hbm>> -> memref<50x128xf32, #tpu.memory_space<hbm>>
        %dma_start3A_455 = arith.constant 0 : i32
        %dma_start3A_456 = arith.constant 0 : i32
        %dma_start3A_457 = tpu.memref_slice %arg4[%add3A_445, %dma_start3A_455, %dma_start3A_456] : memref<16384x50x128xf32, #tpu.memory_space<hbm>> -> memref<1x50x128xf32, #tpu.memory_space<hbm>>
        %dma_start3A_458 = tpu.memref_squeeze %dma_start3A_457 : memref<1x50x128xf32, #tpu.memory_space<hbm>> -> memref<50x128xf32, #tpu.memory_space<hbm>>
        %dma_start3A_459 = arith.constant 300 : i32
        %dma_start3A_460 = arith.constant 0 : i32
        %dma_start3A_461 = tpu.memref_slice %arg6[%dma_start3A_446, %dma_start3A_459, %dma_start3A_460] : memref<2x400x128xf32, #tpu.memory_space<vmem>> -> memref<1x50x128xf32, #tpu.memory_space<vmem>>
        %dma_start3A_462 = tpu.memref_squeeze %dma_start3A_461 : memref<1x50x128xf32, #tpu.memory_space<vmem>> -> memref<50x128xf32, #tpu.memory_space<vmem>>
        tpu.enqueue_dma source(%dma_start3A_462 : memref<50x128xf32, #tpu.memory_space<vmem>>) target(%dma_start3A_458 : memref<50x128xf32, #tpu.memory_space<hbm>>) target_semaphore(%arg8 : memref<!tpu.dma_semaphore, #tpu.memory_space<semaphore_mem>>)
        %add3A_463 = arith.constant 7 : i32
        %add3A_464 = arith.addi %add3A_29, %add3A_463 : i32
        %dma_start3A_465 = arith.constant 0 : i32
        %dma_start3A_466 = arith.constant 350 : i32
        %dma_start3A_467 = arith.constant 0 : i32
        %dma_start3A_468 = tpu.memref_slice %arg6[%dma_start3A_465, %dma_start3A_466, %dma_start3A_467] : memref<2x400x128xf32, #tpu.memory_space<vmem>> -> memref<1x50x128xf32, #tpu.memory_space<vmem>>
        %dma_start3A_469 = tpu.memref_squeeze %dma_start3A_468 : memref<1x50x128xf32, #tpu.memory_space<vmem>> -> memref<50x128xf32, #tpu.memory_space<vmem>>
        %dma_start3A_470 = arith.constant 0 : i32
        %dma_start3A_471 = arith.constant 0 : i32
        %dma_start3A_472 = tpu.memref_slice %arg4[%add3A_464, %dma_start3A_470, %dma_start3A_471] : memref<16384x50x128xf32, #tpu.memory_space<hbm>> -> memref<1x50x128xf32, #tpu.memory_space<hbm>>
        %dma_start3A_473 = tpu.memref_squeeze %dma_start3A_472 : memref<1x50x128xf32, #tpu.memory_space<hbm>> -> memref<50x128xf32, #tpu.memory_space<hbm>>
        %dma_start3A_474 = arith.constant 0 : i32
        %dma_start3A_475 = arith.constant 0 : i32
        %dma_start3A_476 = tpu.memref_slice %arg4[%add3A_464, %dma_start3A_474, %dma_start3A_475] : memref<16384x50x128xf32, #tpu.memory_space<hbm>> -> memref<1x50x128xf32, #tpu.memory_space<hbm>>
        %dma_start3A_477 = tpu.memref_squeeze %dma_start3A_476 : memref<1x50x128xf32, #tpu.memory_space<hbm>> -> memref<50x128xf32, #tpu.memory_space<hbm>>
        %dma_start3A_478 = arith.constant 350 : i32
        %dma_start3A_479 = arith.constant 0 : i32
        %dma_start3A_480 = tpu.memref_slice %arg6[%dma_start3A_465, %dma_start3A_478, %dma_start3A_479] : memref<2x400x128xf32, #tpu.memory_space<vmem>> -> memref<1x50x128xf32, #tpu.memory_space<vmem>>
        %dma_start3A_481 = tpu.memref_squeeze %dma_start3A_480 : memref<1x50x128xf32, #tpu.memory_space<vmem>> -> memref<50x128xf32, #tpu.memory_space<vmem>>
        tpu.enqueue_dma source(%dma_start3A_481 : memref<50x128xf32, #tpu.memory_space<vmem>>) target(%dma_start3A_477 : memref<50x128xf32, #tpu.memory_space<hbm>>) target_semaphore(%arg8 : memref<!tpu.dma_semaphore, #tpu.memory_space<semaphore_mem>>)
        %dma_wait3A_482 = arith.constant 1 : i32
        %dma_wait3A_483 = arith.constant 0 : i32
        %dma_wait3A_484 = arith.constant 0 : i32
        %dma_wait3A_485 = tpu.memref_slice %arg6[%dma_wait3A_482, %dma_wait3A_483, %dma_wait3A_484] : memref<2x400x128xf32, #tpu.memory_space<vmem>> -> memref<1x50x128xf32, #tpu.memory_space<vmem>>
        %dma_wait3A_486 = tpu.memref_squeeze %dma_wait3A_485 : memref<1x50x128xf32, #tpu.memory_space<vmem>> -> memref<50x128xf32, #tpu.memory_space<vmem>>
        %dma_wait3A_487 = arith.constant 0 : i32
        %dma_wait3A_488 = tpu.memref_slice %arg5[%add3A_140, %dma_wait3A_487] : memref<128x50xi32, #tpu.memory_space<vmem>> -> memref<1x50xi32, #tpu.memory_space<vmem>>
        %dma_wait3A_489 = tpu.memref_squeeze %dma_wait3A_488 : memref<1x50xi32, #tpu.memory_space<vmem>> -> memref<50xi32, #tpu.memory_space<vmem>>
        %dma_wait3A_490 = arith.constant 0 : i32
        %dma_wait3A_491 = arith.constant 0 : i32
        %dma_wait3A_492 = tpu.memref_slice %arg2[%dma_wait3A_490, %dma_wait3A_491] : memref<1000000x128xf32, #tpu.memory_space<hbm>> -> memref<1000000x128xf32, #tpu.memory_space<hbm>>
        tpu.wait_indirect_dma semaphore(%arg7 : memref<!tpu.dma_semaphore, #tpu.memory_space<semaphore_mem>>) src(%dma_wait3A_492 : memref<1000000x128xf32, #tpu.memory_space<hbm>>) dst(%dma_wait3A_486 : memref<50x128xf32, #tpu.memory_space<vmem>>)
        %dma_wait3A_493 = arith.constant 1 : i32
        %dma_wait3A_494 = arith.constant 50 : i32
        %dma_wait3A_495 = arith.constant 0 : i32
        %dma_wait3A_496 = tpu.memref_slice %arg6[%dma_wait3A_493, %dma_wait3A_494, %dma_wait3A_495] : memref<2x400x128xf32, #tpu.memory_space<vmem>> -> memref<1x50x128xf32, #tpu.memory_space<vmem>>
        %dma_wait3A_497 = tpu.memref_squeeze %dma_wait3A_496 : memref<1x50x128xf32, #tpu.memory_space<vmem>> -> memref<50x128xf32, #tpu.memory_space<vmem>>
        %dma_wait3A_498 = arith.constant 0 : i32
        %dma_wait3A_499 = tpu.memref_slice %arg5[%add3A_153, %dma_wait3A_498] : memref<128x50xi32, #tpu.memory_space<vmem>> -> memref<1x50xi32, #tpu.memory_space<vmem>>
        %dma_wait3A_500 = tpu.memref_squeeze %dma_wait3A_499 : memref<1x50xi32, #tpu.memory_space<vmem>> -> memref<50xi32, #tpu.memory_space<vmem>>
        %dma_wait3A_501 = arith.constant 0 : i32
        %dma_wait3A_502 = arith.constant 0 : i32
        %dma_wait3A_503 = tpu.memref_slice %arg2[%dma_wait3A_501, %dma_wait3A_502] : memref<1000000x128xf32, #tpu.memory_space<hbm>> -> memref<1000000x128xf32, #tpu.memory_space<hbm>>
        tpu.wait_indirect_dma semaphore(%arg7 : memref<!tpu.dma_semaphore, #tpu.memory_space<semaphore_mem>>) src(%dma_wait3A_503 : memref<1000000x128xf32, #tpu.memory_space<hbm>>) dst(%dma_wait3A_497 : memref<50x128xf32, #tpu.memory_space<vmem>>)
        %dma_wait3A_504 = arith.constant 1 : i32
        %dma_wait3A_505 = arith.constant 100 : i32
        %dma_wait3A_506 = arith.constant 0 : i32
        %dma_wait3A_507 = tpu.memref_slice %arg6[%dma_wait3A_504, %dma_wait3A_505, %dma_wait3A_506] : memref<2x400x128xf32, #tpu.memory_space<vmem>> -> memref<1x50x128xf32, #tpu.memory_space<vmem>>
        %dma_wait3A_508 = tpu.memref_squeeze %dma_wait3A_507 : memref<1x50x128xf32, #tpu.memory_space<vmem>> -> memref<50x128xf32, #tpu.memory_space<vmem>>
        %dma_wait3A_509 = arith.constant 0 : i32
        %dma_wait3A_510 = tpu.memref_slice %arg5[%add3A_166, %dma_wait3A_509] : memref<128x50xi32, #tpu.memory_space<vmem>> -> memref<1x50xi32, #tpu.memory_space<vmem>>
        %dma_wait3A_511 = tpu.memref_squeeze %dma_wait3A_510 : memref<1x50xi32, #tpu.memory_space<vmem>> -> memref<50xi32, #tpu.memory_space<vmem>>
        %dma_wait3A_512 = arith.constant 0 : i32
        %dma_wait3A_513 = arith.constant 0 : i32
        %dma_wait3A_514 = tpu.memref_slice %arg2[%dma_wait3A_512, %dma_wait3A_513] : memref<1000000x128xf32, #tpu.memory_space<hbm>> -> memref<1000000x128xf32, #tpu.memory_space<hbm>>
        tpu.wait_indirect_dma semaphore(%arg7 : memref<!tpu.dma_semaphore, #tpu.memory_space<semaphore_mem>>) src(%dma_wait3A_514 : memref<1000000x128xf32, #tpu.memory_space<hbm>>) dst(%dma_wait3A_508 : memref<50x128xf32, #tpu.memory_space<vmem>>)
        %dma_wait3A_515 = arith.constant 1 : i32
        %dma_wait3A_516 = arith.constant 150 : i32
        %dma_wait3A_517 = arith.constant 0 : i32
        %dma_wait3A_518 = tpu.memref_slice %arg6[%dma_wait3A_515, %dma_wait3A_516, %dma_wait3A_517] : memref<2x400x128xf32, #tpu.memory_space<vmem>> -> memref<1x50x128xf32, #tpu.memory_space<vmem>>
        %dma_wait3A_519 = tpu.memref_squeeze %dma_wait3A_518 : memref<1x50x128xf32, #tpu.memory_space<vmem>> -> memref<50x128xf32, #tpu.memory_space<vmem>>
        %dma_wait3A_520 = arith.constant 0 : i32
        %dma_wait3A_521 = tpu.memref_slice %arg5[%add3A_179, %dma_wait3A_520] : memref<128x50xi32, #tpu.memory_space<vmem>> -> memref<1x50xi32, #tpu.memory_space<vmem>>
        %dma_wait3A_522 = tpu.memref_squeeze %dma_wait3A_521 : memref<1x50xi32, #tpu.memory_space<vmem>> -> memref<50xi32, #tpu.memory_space<vmem>>
        %dma_wait3A_523 = arith.constant 0 : i32
        %dma_wait3A_524 = arith.constant 0 : i32
        %dma_wait3A_525 = tpu.memref_slice %arg2[%dma_wait3A_523, %dma_wait3A_524] : memref<1000000x128xf32, #tpu.memory_space<hbm>> -> memref<1000000x128xf32, #tpu.memory_space<hbm>>
        tpu.wait_indirect_dma semaphore(%arg7 : memref<!tpu.dma_semaphore, #tpu.memory_space<semaphore_mem>>) src(%dma_wait3A_525 : memref<1000000x128xf32, #tpu.memory_space<hbm>>) dst(%dma_wait3A_519 : memref<50x128xf32, #tpu.memory_space<vmem>>)
        %dma_wait3A_526 = arith.constant 1 : i32
        %dma_wait3A_527 = arith.constant 200 : i32
        %dma_wait3A_528 = arith.constant 0 : i32
        %dma_wait3A_529 = tpu.memref_slice %arg6[%dma_wait3A_526, %dma_wait3A_527, %dma_wait3A_528] : memref<2x400x128xf32, #tpu.memory_space<vmem>> -> memref<1x50x128xf32, #tpu.memory_space<vmem>>
        %dma_wait3A_530 = tpu.memref_squeeze %dma_wait3A_529 : memref<1x50x128xf32, #tpu.memory_space<vmem>> -> memref<50x128xf32, #tpu.memory_space<vmem>>
        %dma_wait3A_531 = arith.constant 0 : i32
        %dma_wait3A_532 = tpu.memref_slice %arg5[%add3A_192, %dma_wait3A_531] : memref<128x50xi32, #tpu.memory_space<vmem>> -> memref<1x50xi32, #tpu.memory_space<vmem>>
        %dma_wait3A_533 = tpu.memref_squeeze %dma_wait3A_532 : memref<1x50xi32, #tpu.memory_space<vmem>> -> memref<50xi32, #tpu.memory_space<vmem>>
        %dma_wait3A_534 = arith.constant 0 : i32
        %dma_wait3A_535 = arith.constant 0 : i32
        %dma_wait3A_536 = tpu.memref_slice %arg2[%dma_wait3A_534, %dma_wait3A_535] : memref<1000000x128xf32, #tpu.memory_space<hbm>> -> memref<1000000x128xf32, #tpu.memory_space<hbm>>
        tpu.wait_indirect_dma semaphore(%arg7 : memref<!tpu.dma_semaphore, #tpu.memory_space<semaphore_mem>>) src(%dma_wait3A_536 : memref<1000000x128xf32, #tpu.memory_space<hbm>>) dst(%dma_wait3A_530 : memref<50x128xf32, #tpu.memory_space<vmem>>)
        %dma_wait3A_537 = arith.constant 1 : i32
        %dma_wait3A_538 = arith.constant 250 : i32
        %dma_wait3A_539 = arith.constant 0 : i32
        %dma_wait3A_540 = tpu.memref_slice %arg6[%dma_wait3A_537, %dma_wait3A_538, %dma_wait3A_539] : memref<2x400x128xf32, #tpu.memory_space<vmem>> -> memref<1x50x128xf32, #tpu.memory_space<vmem>>
        %dma_wait3A_541 = tpu.memref_squeeze %dma_wait3A_540 : memref<1x50x128xf32, #tpu.memory_space<vmem>> -> memref<50x128xf32, #tpu.memory_space<vmem>>
        %dma_wait3A_542 = arith.constant 0 : i32
        %dma_wait3A_543 = tpu.memref_slice %arg5[%add3A_205, %dma_wait3A_542] : memref<128x50xi32, #tpu.memory_space<vmem>> -> memref<1x50xi32, #tpu.memory_space<vmem>>
        %dma_wait3A_544 = tpu.memref_squeeze %dma_wait3A_543 : memref<1x50xi32, #tpu.memory_space<vmem>> -> memref<50xi32, #tpu.memory_space<vmem>>
        %dma_wait3A_545 = arith.constant 0 : i32
        %dma_wait3A_546 = arith.constant 0 : i32
        %dma_wait3A_547 = tpu.memref_slice %arg2[%dma_wait3A_545, %dma_wait3A_546] : memref<1000000x128xf32, #tpu.memory_space<hbm>> -> memref<1000000x128xf32, #tpu.memory_space<hbm>>
        tpu.wait_indirect_dma semaphore(%arg7 : memref<!tpu.dma_semaphore, #tpu.memory_space<semaphore_mem>>) src(%dma_wait3A_547 : memref<1000000x128xf32, #tpu.memory_space<hbm>>) dst(%dma_wait3A_541 : memref<50x128xf32, #tpu.memory_space<vmem>>)
        %dma_wait3A_548 = arith.constant 1 : i32
        %dma_wait3A_549 = arith.constant 300 : i32
        %dma_wait3A_550 = arith.constant 0 : i32
        %dma_wait3A_551 = tpu.memref_slice %arg6[%dma_wait3A_548, %dma_wait3A_549, %dma_wait3A_550] : memref<2x400x128xf32, #tpu.memory_space<vmem>> -> memref<1x50x128xf32, #tpu.memory_space<vmem>>
        %dma_wait3A_552 = tpu.memref_squeeze %dma_wait3A_551 : memref<1x50x128xf32, #tpu.memory_space<vmem>> -> memref<50x128xf32, #tpu.memory_space<vmem>>
        %dma_wait3A_553 = arith.constant 0 : i32
        %dma_wait3A_554 = tpu.memref_slice %arg5[%add3A_218, %dma_wait3A_553] : memref<128x50xi32, #tpu.memory_space<vmem>> -> memref<1x50xi32, #tpu.memory_space<vmem>>
        %dma_wait3A_555 = tpu.memref_squeeze %dma_wait3A_554 : memref<1x50xi32, #tpu.memory_space<vmem>> -> memref<50xi32, #tpu.memory_space<vmem>>
        %dma_wait3A_556 = arith.constant 0 : i32
        %dma_wait3A_557 = arith.constant 0 : i32
        %dma_wait3A_558 = tpu.memref_slice %arg2[%dma_wait3A_556, %dma_wait3A_557] : memref<1000000x128xf32, #tpu.memory_space<hbm>> -> memref<1000000x128xf32, #tpu.memory_space<hbm>>
        tpu.wait_indirect_dma semaphore(%arg7 : memref<!tpu.dma_semaphore, #tpu.memory_space<semaphore_mem>>) src(%dma_wait3A_558 : memref<1000000x128xf32, #tpu.memory_space<hbm>>) dst(%dma_wait3A_552 : memref<50x128xf32, #tpu.memory_space<vmem>>)
        %dma_wait3A_559 = arith.constant 1 : i32
        %dma_wait3A_560 = arith.constant 350 : i32
        %dma_wait3A_561 = arith.constant 0 : i32
        %dma_wait3A_562 = tpu.memref_slice %arg6[%dma_wait3A_559, %dma_wait3A_560, %dma_wait3A_561] : memref<2x400x128xf32, #tpu.memory_space<vmem>> -> memref<1x50x128xf32, #tpu.memory_space<vmem>>
        %dma_wait3A_563 = tpu.memref_squeeze %dma_wait3A_562 : memref<1x50x128xf32, #tpu.memory_space<vmem>> -> memref<50x128xf32, #tpu.memory_space<vmem>>
        %dma_wait3A_564 = arith.constant 0 : i32
        %dma_wait3A_565 = tpu.memref_slice %arg5[%add3A_231, %dma_wait3A_564] : memref<128x50xi32, #tpu.memory_space<vmem>> -> memref<1x50xi32, #tpu.memory_space<vmem>>
        %dma_wait3A_566 = tpu.memref_squeeze %dma_wait3A_565 : memref<1x50xi32, #tpu.memory_space<vmem>> -> memref<50xi32, #tpu.memory_space<vmem>>
        %dma_wait3A_567 = arith.constant 0 : i32
        %dma_wait3A_568 = arith.constant 0 : i32
        %dma_wait3A_569 = tpu.memref_slice %arg2[%dma_wait3A_567, %dma_wait3A_568] : memref<1000000x128xf32, #tpu.memory_space<hbm>> -> memref<1000000x128xf32, #tpu.memory_space<hbm>>
        tpu.wait_indirect_dma semaphore(%arg7 : memref<!tpu.dma_semaphore, #tpu.memory_space<semaphore_mem>>) src(%dma_wait3A_569 : memref<1000000x128xf32, #tpu.memory_space<hbm>>) dst(%dma_wait3A_563 : memref<50x128xf32, #tpu.memory_space<vmem>>)
        %add3A_570 = arith.constant 8 : i32
        %add3A_571 = arith.addi %add3A_29, %add3A_570 : i32
        %add3A_572 = arith.constant 0 : i32
        %add3A_573 = arith.addi %add3A_571, %add3A_572 : i32
        %dma_start3A_574 = arith.constant 1 : i32
        %dma_start3A_575 = arith.constant 0 : i32
        %dma_start3A_576 = arith.constant 0 : i32
        %dma_start3A_577 = tpu.memref_slice %arg6[%dma_start3A_574, %dma_start3A_575, %dma_start3A_576] : memref<2x400x128xf32, #tpu.memory_space<vmem>> -> memref<1x50x128xf32, #tpu.memory_space<vmem>>
        %dma_start3A_578 = tpu.memref_squeeze %dma_start3A_577 : memref<1x50x128xf32, #tpu.memory_space<vmem>> -> memref<50x128xf32, #tpu.memory_space<vmem>>
        %dma_start3A_579 = arith.constant 0 : i32
        %dma_start3A_580 = arith.constant 0 : i32
        %dma_start3A_581 = tpu.memref_slice %arg4[%add3A_573, %dma_start3A_579, %dma_start3A_580] : memref<16384x50x128xf32, #tpu.memory_space<hbm>> -> memref<1x50x128xf32, #tpu.memory_space<hbm>>
        %dma_start3A_582 = tpu.memref_squeeze %dma_start3A_581 : memref<1x50x128xf32, #tpu.memory_space<hbm>> -> memref<50x128xf32, #tpu.memory_space<hbm>>
        %dma_start3A_583 = arith.constant 0 : i32
        %dma_start3A_584 = arith.constant 0 : i32
        %dma_start3A_585 = tpu.memref_slice %arg4[%add3A_573, %dma_start3A_583, %dma_start3A_584] : memref<16384x50x128xf32, #tpu.memory_space<hbm>> -> memref<1x50x128xf32, #tpu.memory_space<hbm>>
        %dma_start3A_586 = tpu.memref_squeeze %dma_start3A_585 : memref<1x50x128xf32, #tpu.memory_space<hbm>> -> memref<50x128xf32, #tpu.memory_space<hbm>>
        %dma_start3A_587 = arith.constant 0 : i32
        %dma_start3A_588 = arith.constant 0 : i32
        %dma_start3A_589 = tpu.memref_slice %arg6[%dma_start3A_574, %dma_start3A_587, %dma_start3A_588] : memref<2x400x128xf32, #tpu.memory_space<vmem>> -> memref<1x50x128xf32, #tpu.memory_space<vmem>>
        %dma_start3A_590 = tpu.memref_squeeze %dma_start3A_589 : memref<1x50x128xf32, #tpu.memory_space<vmem>> -> memref<50x128xf32, #tpu.memory_space<vmem>>
        tpu.enqueue_dma source(%dma_start3A_590 : memref<50x128xf32, #tpu.memory_space<vmem>>) target(%dma_start3A_586 : memref<50x128xf32, #tpu.memory_space<hbm>>) target_semaphore(%arg8 : memref<!tpu.dma_semaphore, #tpu.memory_space<semaphore_mem>>)
        %add3A_591 = arith.constant 1 : i32
        %add3A_592 = arith.addi %add3A_571, %add3A_591 : i32
        %dma_start3A_593 = arith.constant 1 : i32
        %dma_start3A_594 = arith.constant 50 : i32
        %dma_start3A_595 = arith.constant 0 : i32
        %dma_start3A_596 = tpu.memref_slice %arg6[%dma_start3A_593, %dma_start3A_594, %dma_start3A_595] : memref<2x400x128xf32, #tpu.memory_space<vmem>> -> memref<1x50x128xf32, #tpu.memory_space<vmem>>
        %dma_start3A_597 = tpu.memref_squeeze %dma_start3A_596 : memref<1x50x128xf32, #tpu.memory_space<vmem>> -> memref<50x128xf32, #tpu.memory_space<vmem>>
        %dma_start3A_598 = arith.constant 0 : i32
        %dma_start3A_599 = arith.constant 0 : i32
        %dma_start3A_600 = tpu.memref_slice %arg4[%add3A_592, %dma_start3A_598, %dma_start3A_599] : memref<16384x50x128xf32, #tpu.memory_space<hbm>> -> memref<1x50x128xf32, #tpu.memory_space<hbm>>
        %dma_start3A_601 = tpu.memref_squeeze %dma_start3A_600 : memref<1x50x128xf32, #tpu.memory_space<hbm>> -> memref<50x128xf32, #tpu.memory_space<hbm>>
        %dma_start3A_602 = arith.constant 0 : i32
        %dma_start3A_603 = arith.constant 0 : i32
        %dma_start3A_604 = tpu.memref_slice %arg4[%add3A_592, %dma_start3A_602, %dma_start3A_603] : memref<16384x50x128xf32, #tpu.memory_space<hbm>> -> memref<1x50x128xf32, #tpu.memory_space<hbm>>
        %dma_start3A_605 = tpu.memref_squeeze %dma_start3A_604 : memref<1x50x128xf32, #tpu.memory_space<hbm>> -> memref<50x128xf32, #tpu.memory_space<hbm>>
        %dma_start3A_606 = arith.constant 50 : i32
        %dma_start3A_607 = arith.constant 0 : i32
        %dma_start3A_608 = tpu.memref_slice %arg6[%dma_start3A_593, %dma_start3A_606, %dma_start3A_607] : memref<2x400x128xf32, #tpu.memory_space<vmem>> -> memref<1x50x128xf32, #tpu.memory_space<vmem>>
        %dma_start3A_609 = tpu.memref_squeeze %dma_start3A_608 : memref<1x50x128xf32, #tpu.memory_space<vmem>> -> memref<50x128xf32, #tpu.memory_space<vmem>>
        tpu.enqueue_dma source(%dma_start3A_609 : memref<50x128xf32, #tpu.memory_space<vmem>>) target(%dma_start3A_605 : memref<50x128xf32, #tpu.memory_space<hbm>>) target_semaphore(%arg8 : memref<!tpu.dma_semaphore, #tpu.memory_space<semaphore_mem>>)
        %add3A_610 = arith.constant 2 : i32
        %add3A_611 = arith.addi %add3A_571, %add3A_610 : i32
        %dma_start3A_612 = arith.constant 1 : i32
        %dma_start3A_613 = arith.constant 100 : i32
        %dma_start3A_614 = arith.constant 0 : i32
        %dma_start3A_615 = tpu.memref_slice %arg6[%dma_start3A_612, %dma_start3A_613, %dma_start3A_614] : memref<2x400x128xf32, #tpu.memory_space<vmem>> -> memref<1x50x128xf32, #tpu.memory_space<vmem>>
        %dma_start3A_616 = tpu.memref_squeeze %dma_start3A_615 : memref<1x50x128xf32, #tpu.memory_space<vmem>> -> memref<50x128xf32, #tpu.memory_space<vmem>>
        %dma_start3A_617 = arith.constant 0 : i32
        %dma_start3A_618 = arith.constant 0 : i32
        %dma_start3A_619 = tpu.memref_slice %arg4[%add3A_611, %dma_start3A_617, %dma_start3A_618] : memref<16384x50x128xf32, #tpu.memory_space<hbm>> -> memref<1x50x128xf32, #tpu.memory_space<hbm>>
        %dma_start3A_620 = tpu.memref_squeeze %dma_start3A_619 : memref<1x50x128xf32, #tpu.memory_space<hbm>> -> memref<50x128xf32, #tpu.memory_space<hbm>>
        %dma_start3A_621 = arith.constant 0 : i32
        %dma_start3A_622 = arith.constant 0 : i32
        %dma_start3A_623 = tpu.memref_slice %arg4[%add3A_611, %dma_start3A_621, %dma_start3A_622] : memref<16384x50x128xf32, #tpu.memory_space<hbm>> -> memref<1x50x128xf32, #tpu.memory_space<hbm>>
        %dma_start3A_624 = tpu.memref_squeeze %dma_start3A_623 : memref<1x50x128xf32, #tpu.memory_space<hbm>> -> memref<50x128xf32, #tpu.memory_space<hbm>>
        %dma_start3A_625 = arith.constant 100 : i32
        %dma_start3A_626 = arith.constant 0 : i32
        %dma_start3A_627 = tpu.memref_slice %arg6[%dma_start3A_612, %dma_start3A_625, %dma_start3A_626] : memref<2x400x128xf32, #tpu.memory_space<vmem>> -> memref<1x50x128xf32, #tpu.memory_space<vmem>>
        %dma_start3A_628 = tpu.memref_squeeze %dma_start3A_627 : memref<1x50x128xf32, #tpu.memory_space<vmem>> -> memref<50x128xf32, #tpu.memory_space<vmem>>
        tpu.enqueue_dma source(%dma_start3A_628 : memref<50x128xf32, #tpu.memory_space<vmem>>) target(%dma_start3A_624 : memref<50x128xf32, #tpu.memory_space<hbm>>) target_semaphore(%arg8 : memref<!tpu.dma_semaphore, #tpu.memory_space<semaphore_mem>>)
        %add3A_629 = arith.constant 3 : i32
        %add3A_630 = arith.addi %add3A_571, %add3A_629 : i32
        %dma_start3A_631 = arith.constant 1 : i32
        %dma_start3A_632 = arith.constant 150 : i32
        %dma_start3A_633 = arith.constant 0 : i32
        %dma_start3A_634 = tpu.memref_slice %arg6[%dma_start3A_631, %dma_start3A_632, %dma_start3A_633] : memref<2x400x128xf32, #tpu.memory_space<vmem>> -> memref<1x50x128xf32, #tpu.memory_space<vmem>>
        %dma_start3A_635 = tpu.memref_squeeze %dma_start3A_634 : memref<1x50x128xf32, #tpu.memory_space<vmem>> -> memref<50x128xf32, #tpu.memory_space<vmem>>
        %dma_start3A_636 = arith.constant 0 : i32
        %dma_start3A_637 = arith.constant 0 : i32
        %dma_start3A_638 = tpu.memref_slice %arg4[%add3A_630, %dma_start3A_636, %dma_start3A_637] : memref<16384x50x128xf32, #tpu.memory_space<hbm>> -> memref<1x50x128xf32, #tpu.memory_space<hbm>>
        %dma_start3A_639 = tpu.memref_squeeze %dma_start3A_638 : memref<1x50x128xf32, #tpu.memory_space<hbm>> -> memref<50x128xf32, #tpu.memory_space<hbm>>
        %dma_start3A_640 = arith.constant 0 : i32
        %dma_start3A_641 = arith.constant 0 : i32
        %dma_start3A_642 = tpu.memref_slice %arg4[%add3A_630, %dma_start3A_640, %dma_start3A_641] : memref<16384x50x128xf32, #tpu.memory_space<hbm>> -> memref<1x50x128xf32, #tpu.memory_space<hbm>>
        %dma_start3A_643 = tpu.memref_squeeze %dma_start3A_642 : memref<1x50x128xf32, #tpu.memory_space<hbm>> -> memref<50x128xf32, #tpu.memory_space<hbm>>
        %dma_start3A_644 = arith.constant 150 : i32
        %dma_start3A_645 = arith.constant 0 : i32
        %dma_start3A_646 = tpu.memref_slice %arg6[%dma_start3A_631, %dma_start3A_644, %dma_start3A_645] : memref<2x400x128xf32, #tpu.memory_space<vmem>> -> memref<1x50x128xf32, #tpu.memory_space<vmem>>
        %dma_start3A_647 = tpu.memref_squeeze %dma_start3A_646 : memref<1x50x128xf32, #tpu.memory_space<vmem>> -> memref<50x128xf32, #tpu.memory_space<vmem>>
        tpu.enqueue_dma source(%dma_start3A_647 : memref<50x128xf32, #tpu.memory_space<vmem>>) target(%dma_start3A_643 : memref<50x128xf32, #tpu.memory_space<hbm>>) target_semaphore(%arg8 : memref<!tpu.dma_semaphore, #tpu.memory_space<semaphore_mem>>)
        %add3A_648 = arith.constant 4 : i32
        %add3A_649 = arith.addi %add3A_571, %add3A_648 : i32
        %dma_start3A_650 = arith.constant 1 : i32
        %dma_start3A_651 = arith.constant 200 : i32
        %dma_start3A_652 = arith.constant 0 : i32
        %dma_start3A_653 = tpu.memref_slice %arg6[%dma_start3A_650, %dma_start3A_651, %dma_start3A_652] : memref<2x400x128xf32, #tpu.memory_space<vmem>> -> memref<1x50x128xf32, #tpu.memory_space<vmem>>
        %dma_start3A_654 = tpu.memref_squeeze %dma_start3A_653 : memref<1x50x128xf32, #tpu.memory_space<vmem>> -> memref<50x128xf32, #tpu.memory_space<vmem>>
        %dma_start3A_655 = arith.constant 0 : i32
        %dma_start3A_656 = arith.constant 0 : i32
        %dma_start3A_657 = tpu.memref_slice %arg4[%add3A_649, %dma_start3A_655, %dma_start3A_656] : memref<16384x50x128xf32, #tpu.memory_space<hbm>> -> memref<1x50x128xf32, #tpu.memory_space<hbm>>
        %dma_start3A_658 = tpu.memref_squeeze %dma_start3A_657 : memref<1x50x128xf32, #tpu.memory_space<hbm>> -> memref<50x128xf32, #tpu.memory_space<hbm>>
        %dma_start3A_659 = arith.constant 0 : i32
        %dma_start3A_660 = arith.constant 0 : i32
        %dma_start3A_661 = tpu.memref_slice %arg4[%add3A_649, %dma_start3A_659, %dma_start3A_660] : memref<16384x50x128xf32, #tpu.memory_space<hbm>> -> memref<1x50x128xf32, #tpu.memory_space<hbm>>
        %dma_start3A_662 = tpu.memref_squeeze %dma_start3A_661 : memref<1x50x128xf32, #tpu.memory_space<hbm>> -> memref<50x128xf32, #tpu.memory_space<hbm>>
        %dma_start3A_663 = arith.constant 200 : i32
        %dma_start3A_664 = arith.constant 0 : i32
        %dma_start3A_665 = tpu.memref_slice %arg6[%dma_start3A_650, %dma_start3A_663, %dma_start3A_664] : memref<2x400x128xf32, #tpu.memory_space<vmem>> -> memref<1x50x128xf32, #tpu.memory_space<vmem>>
        %dma_start3A_666 = tpu.memref_squeeze %dma_start3A_665 : memref<1x50x128xf32, #tpu.memory_space<vmem>> -> memref<50x128xf32, #tpu.memory_space<vmem>>
        tpu.enqueue_dma source(%dma_start3A_666 : memref<50x128xf32, #tpu.memory_space<vmem>>) target(%dma_start3A_662 : memref<50x128xf32, #tpu.memory_space<hbm>>) target_semaphore(%arg8 : memref<!tpu.dma_semaphore, #tpu.memory_space<semaphore_mem>>)
        %add3A_667 = arith.constant 5 : i32
        %add3A_668 = arith.addi %add3A_571, %add3A_667 : i32
        %dma_start3A_669 = arith.constant 1 : i32
        %dma_start3A_670 = arith.constant 250 : i32
        %dma_start3A_671 = arith.constant 0 : i32
        %dma_start3A_672 = tpu.memref_slice %arg6[%dma_start3A_669, %dma_start3A_670, %dma_start3A_671] : memref<2x400x128xf32, #tpu.memory_space<vmem>> -> memref<1x50x128xf32, #tpu.memory_space<vmem>>
        %dma_start3A_673 = tpu.memref_squeeze %dma_start3A_672 : memref<1x50x128xf32, #tpu.memory_space<vmem>> -> memref<50x128xf32, #tpu.memory_space<vmem>>
        %dma_start3A_674 = arith.constant 0 : i32
        %dma_start3A_675 = arith.constant 0 : i32
        %dma_start3A_676 = tpu.memref_slice %arg4[%add3A_668, %dma_start3A_674, %dma_start3A_675] : memref<16384x50x128xf32, #tpu.memory_space<hbm>> -> memref<1x50x128xf32, #tpu.memory_space<hbm>>
        %dma_start3A_677 = tpu.memref_squeeze %dma_start3A_676 : memref<1x50x128xf32, #tpu.memory_space<hbm>> -> memref<50x128xf32, #tpu.memory_space<hbm>>
        %dma_start3A_678 = arith.constant 0 : i32
        %dma_start3A_679 = arith.constant 0 : i32
        %dma_start3A_680 = tpu.memref_slice %arg4[%add3A_668, %dma_start3A_678, %dma_start3A_679] : memref<16384x50x128xf32, #tpu.memory_space<hbm>> -> memref<1x50x128xf32, #tpu.memory_space<hbm>>
        %dma_start3A_681 = tpu.memref_squeeze %dma_start3A_680 : memref<1x50x128xf32, #tpu.memory_space<hbm>> -> memref<50x128xf32, #tpu.memory_space<hbm>>
        %dma_start3A_682 = arith.constant 250 : i32
        %dma_start3A_683 = arith.constant 0 : i32
        %dma_start3A_684 = tpu.memref_slice %arg6[%dma_start3A_669, %dma_start3A_682, %dma_start3A_683] : memref<2x400x128xf32, #tpu.memory_space<vmem>> -> memref<1x50x128xf32, #tpu.memory_space<vmem>>
        %dma_start3A_685 = tpu.memref_squeeze %dma_start3A_684 : memref<1x50x128xf32, #tpu.memory_space<vmem>> -> memref<50x128xf32, #tpu.memory_space<vmem>>
        tpu.enqueue_dma source(%dma_start3A_685 : memref<50x128xf32, #tpu.memory_space<vmem>>) target(%dma_start3A_681 : memref<50x128xf32, #tpu.memory_space<hbm>>) target_semaphore(%arg8 : memref<!tpu.dma_semaphore, #tpu.memory_space<semaphore_mem>>)
        %add3A_686 = arith.constant 6 : i32
        %add3A_687 = arith.addi %add3A_571, %add3A_686 : i32
        %dma_start3A_688 = arith.constant 1 : i32
        %dma_start3A_689 = arith.constant 300 : i32
        %dma_start3A_690 = arith.constant 0 : i32
        %dma_start3A_691 = tpu.memref_slice %arg6[%dma_start3A_688, %dma_start3A_689, %dma_start3A_690] : memref<2x400x128xf32, #tpu.memory_space<vmem>> -> memref<1x50x128xf32, #tpu.memory_space<vmem>>
        %dma_start3A_692 = tpu.memref_squeeze %dma_start3A_691 : memref<1x50x128xf32, #tpu.memory_space<vmem>> -> memref<50x128xf32, #tpu.memory_space<vmem>>
        %dma_start3A_693 = arith.constant 0 : i32
        %dma_start3A_694 = arith.constant 0 : i32
        %dma_start3A_695 = tpu.memref_slice %arg4[%add3A_687, %dma_start3A_693, %dma_start3A_694] : memref<16384x50x128xf32, #tpu.memory_space<hbm>> -> memref<1x50x128xf32, #tpu.memory_space<hbm>>
        %dma_start3A_696 = tpu.memref_squeeze %dma_start3A_695 : memref<1x50x128xf32, #tpu.memory_space<hbm>> -> memref<50x128xf32, #tpu.memory_space<hbm>>
        %dma_start3A_697 = arith.constant 0 : i32
        %dma_start3A_698 = arith.constant 0 : i32
        %dma_start3A_699 = tpu.memref_slice %arg4[%add3A_687, %dma_start3A_697, %dma_start3A_698] : memref<16384x50x128xf32, #tpu.memory_space<hbm>> -> memref<1x50x128xf32, #tpu.memory_space<hbm>>
        %dma_start3A_700 = tpu.memref_squeeze %dma_start3A_699 : memref<1x50x128xf32, #tpu.memory_space<hbm>> -> memref<50x128xf32, #tpu.memory_space<hbm>>
        %dma_start3A_701 = arith.constant 300 : i32
        %dma_start3A_702 = arith.constant 0 : i32
        %dma_start3A_703 = tpu.memref_slice %arg6[%dma_start3A_688, %dma_start3A_701, %dma_start3A_702] : memref<2x400x128xf32, #tpu.memory_space<vmem>> -> memref<1x50x128xf32, #tpu.memory_space<vmem>>
        %dma_start3A_704 = tpu.memref_squeeze %dma_start3A_703 : memref<1x50x128xf32, #tpu.memory_space<vmem>> -> memref<50x128xf32, #tpu.memory_space<vmem>>
        tpu.enqueue_dma source(%dma_start3A_704 : memref<50x128xf32, #tpu.memory_space<vmem>>) target(%dma_start3A_700 : memref<50x128xf32, #tpu.memory_space<hbm>>) target_semaphore(%arg8 : memref<!tpu.dma_semaphore, #tpu.memory_space<semaphore_mem>>)
        %add3A_705 = arith.constant 7 : i32
        %add3A_706 = arith.addi %add3A_571, %add3A_705 : i32
        %dma_start3A_707 = arith.constant 1 : i32
        %dma_start3A_708 = arith.constant 350 : i32
        %dma_start3A_709 = arith.constant 0 : i32
        %dma_start3A_710 = tpu.memref_slice %arg6[%dma_start3A_707, %dma_start3A_708, %dma_start3A_709] : memref<2x400x128xf32, #tpu.memory_space<vmem>> -> memref<1x50x128xf32, #tpu.memory_space<vmem>>
        %dma_start3A_711 = tpu.memref_squeeze %dma_start3A_710 : memref<1x50x128xf32, #tpu.memory_space<vmem>> -> memref<50x128xf32, #tpu.memory_space<vmem>>
        %dma_start3A_712 = arith.constant 0 : i32
        %dma_start3A_713 = arith.constant 0 : i32
        %dma_start3A_714 = tpu.memref_slice %arg4[%add3A_706, %dma_start3A_712, %dma_start3A_713] : memref<16384x50x128xf32, #tpu.memory_space<hbm>> -> memref<1x50x128xf32, #tpu.memory_space<hbm>>
        %dma_start3A_715 = tpu.memref_squeeze %dma_start3A_714 : memref<1x50x128xf32, #tpu.memory_space<hbm>> -> memref<50x128xf32, #tpu.memory_space<hbm>>
        %dma_start3A_716 = arith.constant 0 : i32
        %dma_start3A_717 = arith.constant 0 : i32
        %dma_start3A_718 = tpu.memref_slice %arg4[%add3A_706, %dma_start3A_716, %dma_start3A_717] : memref<16384x50x128xf32, #tpu.memory_space<hbm>> -> memref<1x50x128xf32, #tpu.memory_space<hbm>>
        %dma_start3A_719 = tpu.memref_squeeze %dma_start3A_718 : memref<1x50x128xf32, #tpu.memory_space<hbm>> -> memref<50x128xf32, #tpu.memory_space<hbm>>
        %dma_start3A_720 = arith.constant 350 : i32
        %dma_start3A_721 = arith.constant 0 : i32
        %dma_start3A_722 = tpu.memref_slice %arg6[%dma_start3A_707, %dma_start3A_720, %dma_start3A_721] : memref<2x400x128xf32, #tpu.memory_space<vmem>> -> memref<1x50x128xf32, #tpu.memory_space<vmem>>
        %dma_start3A_723 = tpu.memref_squeeze %dma_start3A_722 : memref<1x50x128xf32, #tpu.memory_space<vmem>> -> memref<50x128xf32, #tpu.memory_space<vmem>>
        tpu.enqueue_dma source(%dma_start3A_723 : memref<50x128xf32, #tpu.memory_space<vmem>>) target(%dma_start3A_719 : memref<50x128xf32, #tpu.memory_space<hbm>>) target_semaphore(%arg8 : memref<!tpu.dma_semaphore, #tpu.memory_space<semaphore_mem>>)
        %dma_wait3A_724 = arith.constant 0 : i32
        %dma_wait3A_725 = arith.constant 0 : i32
        %dma_wait3A_726 = arith.constant 0 : i32
        %dma_wait3A_727 = tpu.memref_slice %arg6[%dma_wait3A_724, %dma_wait3A_725, %dma_wait3A_726] : memref<2x400x128xf32, #tpu.memory_space<vmem>> -> memref<1x50x128xf32, #tpu.memory_space<vmem>>
        %dma_wait3A_728 = tpu.memref_squeeze %dma_wait3A_727 : memref<1x50x128xf32, #tpu.memory_space<vmem>> -> memref<50x128xf32, #tpu.memory_space<vmem>>
        %dma_wait3A_729 = arith.constant 0 : i32
        %dma_wait3A_730 = arith.constant 0 : i32
        %dma_wait3A_731 = tpu.memref_slice %arg4[%add3A_331, %dma_wait3A_729, %dma_wait3A_730] : memref<16384x50x128xf32, #tpu.memory_space<hbm>> -> memref<1x50x128xf32, #tpu.memory_space<hbm>>
        %dma_wait3A_732 = tpu.memref_squeeze %dma_wait3A_731 : memref<1x50x128xf32, #tpu.memory_space<hbm>> -> memref<50x128xf32, #tpu.memory_space<hbm>>
        %dma_wait3A_733 = arith.constant 0 : i32
        %dma_wait3A_734 = arith.constant 0 : i32
        %dma_wait3A_735 = tpu.memref_slice %arg4[%add3A_331, %dma_wait3A_733, %dma_wait3A_734] : memref<16384x50x128xf32, #tpu.memory_space<hbm>> -> memref<1x50x128xf32, #tpu.memory_space<hbm>>
        %dma_wait3A_736 = tpu.memref_squeeze %dma_wait3A_735 : memref<1x50x128xf32, #tpu.memory_space<hbm>> -> memref<50x128xf32, #tpu.memory_space<hbm>>
        %dma_wait3A_737 = arith.constant 0 : i32
        %dma_wait3A_738 = arith.constant 0 : i32
        %dma_wait3A_739 = tpu.memref_slice %arg6[%dma_wait3A_724, %dma_wait3A_737, %dma_wait3A_738] : memref<2x400x128xf32, #tpu.memory_space<vmem>> -> memref<1x50x128xf32, #tpu.memory_space<vmem>>
        %dma_wait3A_740 = tpu.memref_squeeze %dma_wait3A_739 : memref<1x50x128xf32, #tpu.memory_space<vmem>> -> memref<50x128xf32, #tpu.memory_space<vmem>>
        tpu.wait_dma2 semaphore(%arg8 : memref<!tpu.dma_semaphore, #tpu.memory_space<semaphore_mem>>) src(%dma_wait3A_740 : memref<50x128xf32, #tpu.memory_space<vmem>>) dst(%dma_wait3A_736 : memref<50x128xf32, #tpu.memory_space<hbm>>)
        %dma_wait3A_741 = arith.constant 0 : i32
        %dma_wait3A_742 = arith.constant 50 : i32
        %dma_wait3A_743 = arith.constant 0 : i32
        %dma_wait3A_744 = tpu.memref_slice %arg6[%dma_wait3A_741, %dma_wait3A_742, %dma_wait3A_743] : memref<2x400x128xf32, #tpu.memory_space<vmem>> -> memref<1x50x128xf32, #tpu.memory_space<vmem>>
        %dma_wait3A_745 = tpu.memref_squeeze %dma_wait3A_744 : memref<1x50x128xf32, #tpu.memory_space<vmem>> -> memref<50x128xf32, #tpu.memory_space<vmem>>
        %dma_wait3A_746 = arith.constant 0 : i32
        %dma_wait3A_747 = arith.constant 0 : i32
        %dma_wait3A_748 = tpu.memref_slice %arg4[%add3A_350, %dma_wait3A_746, %dma_wait3A_747] : memref<16384x50x128xf32, #tpu.memory_space<hbm>> -> memref<1x50x128xf32, #tpu.memory_space<hbm>>
        %dma_wait3A_749 = tpu.memref_squeeze %dma_wait3A_748 : memref<1x50x128xf32, #tpu.memory_space<hbm>> -> memref<50x128xf32, #tpu.memory_space<hbm>>
        %dma_wait3A_750 = arith.constant 0 : i32
        %dma_wait3A_751 = arith.constant 0 : i32
        %dma_wait3A_752 = tpu.memref_slice %arg4[%add3A_350, %dma_wait3A_750, %dma_wait3A_751] : memref<16384x50x128xf32, #tpu.memory_space<hbm>> -> memref<1x50x128xf32, #tpu.memory_space<hbm>>
        %dma_wait3A_753 = tpu.memref_squeeze %dma_wait3A_752 : memref<1x50x128xf32, #tpu.memory_space<hbm>> -> memref<50x128xf32, #tpu.memory_space<hbm>>
        %dma_wait3A_754 = arith.constant 50 : i32
        %dma_wait3A_755 = arith.constant 0 : i32
        %dma_wait3A_756 = tpu.memref_slice %arg6[%dma_wait3A_741, %dma_wait3A_754, %dma_wait3A_755] : memref<2x400x128xf32, #tpu.memory_space<vmem>> -> memref<1x50x128xf32, #tpu.memory_space<vmem>>
        %dma_wait3A_757 = tpu.memref_squeeze %dma_wait3A_756 : memref<1x50x128xf32, #tpu.memory_space<vmem>> -> memref<50x128xf32, #tpu.memory_space<vmem>>
        tpu.wait_dma2 semaphore(%arg8 : memref<!tpu.dma_semaphore, #tpu.memory_space<semaphore_mem>>) src(%dma_wait3A_757 : memref<50x128xf32, #tpu.memory_space<vmem>>) dst(%dma_wait3A_753 : memref<50x128xf32, #tpu.memory_space<hbm>>)
        %dma_wait3A_758 = arith.constant 0 : i32
        %dma_wait3A_759 = arith.constant 100 : i32
        %dma_wait3A_760 = arith.constant 0 : i32
        %dma_wait3A_761 = tpu.memref_slice %arg6[%dma_wait3A_758, %dma_wait3A_759, %dma_wait3A_760] : memref<2x400x128xf32, #tpu.memory_space<vmem>> -> memref<1x50x128xf32, #tpu.memory_space<vmem>>
        %dma_wait3A_762 = tpu.memref_squeeze %dma_wait3A_761 : memref<1x50x128xf32, #tpu.memory_space<vmem>> -> memref<50x128xf32, #tpu.memory_space<vmem>>
        %dma_wait3A_763 = arith.constant 0 : i32
        %dma_wait3A_764 = arith.constant 0 : i32
        %dma_wait3A_765 = tpu.memref_slice %arg4[%add3A_369, %dma_wait3A_763, %dma_wait3A_764] : memref<16384x50x128xf32, #tpu.memory_space<hbm>> -> memref<1x50x128xf32, #tpu.memory_space<hbm>>
        %dma_wait3A_766 = tpu.memref_squeeze %dma_wait3A_765 : memref<1x50x128xf32, #tpu.memory_space<hbm>> -> memref<50x128xf32, #tpu.memory_space<hbm>>
        %dma_wait3A_767 = arith.constant 0 : i32
        %dma_wait3A_768 = arith.constant 0 : i32
        %dma_wait3A_769 = tpu.memref_slice %arg4[%add3A_369, %dma_wait3A_767, %dma_wait3A_768] : memref<16384x50x128xf32, #tpu.memory_space<hbm>> -> memref<1x50x128xf32, #tpu.memory_space<hbm>>
        %dma_wait3A_770 = tpu.memref_squeeze %dma_wait3A_769 : memref<1x50x128xf32, #tpu.memory_space<hbm>> -> memref<50x128xf32, #tpu.memory_space<hbm>>
        %dma_wait3A_771 = arith.constant 100 : i32
        %dma_wait3A_772 = arith.constant 0 : i32
        %dma_wait3A_773 = tpu.memref_slice %arg6[%dma_wait3A_758, %dma_wait3A_771, %dma_wait3A_772] : memref<2x400x128xf32, #tpu.memory_space<vmem>> -> memref<1x50x128xf32, #tpu.memory_space<vmem>>
        %dma_wait3A_774 = tpu.memref_squeeze %dma_wait3A_773 : memref<1x50x128xf32, #tpu.memory_space<vmem>> -> memref<50x128xf32, #tpu.memory_space<vmem>>
        tpu.wait_dma2 semaphore(%arg8 : memref<!tpu.dma_semaphore, #tpu.memory_space<semaphore_mem>>) src(%dma_wait3A_774 : memref<50x128xf32, #tpu.memory_space<vmem>>) dst(%dma_wait3A_770 : memref<50x128xf32, #tpu.memory_space<hbm>>)
        %dma_wait3A_775 = arith.constant 0 : i32
        %dma_wait3A_776 = arith.constant 150 : i32
        %dma_wait3A_777 = arith.constant 0 : i32
        %dma_wait3A_778 = tpu.memref_slice %arg6[%dma_wait3A_775, %dma_wait3A_776, %dma_wait3A_777] : memref<2x400x128xf32, #tpu.memory_space<vmem>> -> memref<1x50x128xf32, #tpu.memory_space<vmem>>
        %dma_wait3A_779 = tpu.memref_squeeze %dma_wait3A_778 : memref<1x50x128xf32, #tpu.memory_space<vmem>> -> memref<50x128xf32, #tpu.memory_space<vmem>>
        %dma_wait3A_780 = arith.constant 0 : i32
        %dma_wait3A_781 = arith.constant 0 : i32
        %dma_wait3A_782 = tpu.memref_slice %arg4[%add3A_388, %dma_wait3A_780, %dma_wait3A_781] : memref<16384x50x128xf32, #tpu.memory_space<hbm>> -> memref<1x50x128xf32, #tpu.memory_space<hbm>>
        %dma_wait3A_783 = tpu.memref_squeeze %dma_wait3A_782 : memref<1x50x128xf32, #tpu.memory_space<hbm>> -> memref<50x128xf32, #tpu.memory_space<hbm>>
        %dma_wait3A_784 = arith.constant 0 : i32
        %dma_wait3A_785 = arith.constant 0 : i32
        %dma_wait3A_786 = tpu.memref_slice %arg4[%add3A_388, %dma_wait3A_784, %dma_wait3A_785] : memref<16384x50x128xf32, #tpu.memory_space<hbm>> -> memref<1x50x128xf32, #tpu.memory_space<hbm>>
        %dma_wait3A_787 = tpu.memref_squeeze %dma_wait3A_786 : memref<1x50x128xf32, #tpu.memory_space<hbm>> -> memref<50x128xf32, #tpu.memory_space<hbm>>
        %dma_wait3A_788 = arith.constant 150 : i32
        %dma_wait3A_789 = arith.constant 0 : i32
        %dma_wait3A_790 = tpu.memref_slice %arg6[%dma_wait3A_775, %dma_wait3A_788, %dma_wait3A_789] : memref<2x400x128xf32, #tpu.memory_space<vmem>> -> memref<1x50x128xf32, #tpu.memory_space<vmem>>
        %dma_wait3A_791 = tpu.memref_squeeze %dma_wait3A_790 : memref<1x50x128xf32, #tpu.memory_space<vmem>> -> memref<50x128xf32, #tpu.memory_space<vmem>>
        tpu.wait_dma2 semaphore(%arg8 : memref<!tpu.dma_semaphore, #tpu.memory_space<semaphore_mem>>) src(%dma_wait3A_791 : memref<50x128xf32, #tpu.memory_space<vmem>>) dst(%dma_wait3A_787 : memref<50x128xf32, #tpu.memory_space<hbm>>)
        %dma_wait3A_792 = arith.constant 0 : i32
        %dma_wait3A_793 = arith.constant 200 : i32
        %dma_wait3A_794 = arith.constant 0 : i32
        %dma_wait3A_795 = tpu.memref_slice %arg6[%dma_wait3A_792, %dma_wait3A_793, %dma_wait3A_794] : memref<2x400x128xf32, #tpu.memory_space<vmem>> -> memref<1x50x128xf32, #tpu.memory_space<vmem>>
        %dma_wait3A_796 = tpu.memref_squeeze %dma_wait3A_795 : memref<1x50x128xf32, #tpu.memory_space<vmem>> -> memref<50x128xf32, #tpu.memory_space<vmem>>
        %dma_wait3A_797 = arith.constant 0 : i32
        %dma_wait3A_798 = arith.constant 0 : i32
        %dma_wait3A_799 = tpu.memref_slice %arg4[%add3A_407, %dma_wait3A_797, %dma_wait3A_798] : memref<16384x50x128xf32, #tpu.memory_space<hbm>> -> memref<1x50x128xf32, #tpu.memory_space<hbm>>
        %dma_wait3A_800 = tpu.memref_squeeze %dma_wait3A_799 : memref<1x50x128xf32, #tpu.memory_space<hbm>> -> memref<50x128xf32, #tpu.memory_space<hbm>>
        %dma_wait3A_801 = arith.constant 0 : i32
        %dma_wait3A_802 = arith.constant 0 : i32
        %dma_wait3A_803 = tpu.memref_slice %arg4[%add3A_407, %dma_wait3A_801, %dma_wait3A_802] : memref<16384x50x128xf32, #tpu.memory_space<hbm>> -> memref<1x50x128xf32, #tpu.memory_space<hbm>>
        %dma_wait3A_804 = tpu.memref_squeeze %dma_wait3A_803 : memref<1x50x128xf32, #tpu.memory_space<hbm>> -> memref<50x128xf32, #tpu.memory_space<hbm>>
        %dma_wait3A_805 = arith.constant 200 : i32
        %dma_wait3A_806 = arith.constant 0 : i32
        %dma_wait3A_807 = tpu.memref_slice %arg6[%dma_wait3A_792, %dma_wait3A_805, %dma_wait3A_806] : memref<2x400x128xf32, #tpu.memory_space<vmem>> -> memref<1x50x128xf32, #tpu.memory_space<vmem>>
        %dma_wait3A_808 = tpu.memref_squeeze %dma_wait3A_807 : memref<1x50x128xf32, #tpu.memory_space<vmem>> -> memref<50x128xf32, #tpu.memory_space<vmem>>
        tpu.wait_dma2 semaphore(%arg8 : memref<!tpu.dma_semaphore, #tpu.memory_space<semaphore_mem>>) src(%dma_wait3A_808 : memref<50x128xf32, #tpu.memory_space<vmem>>) dst(%dma_wait3A_804 : memref<50x128xf32, #tpu.memory_space<hbm>>)
        %dma_wait3A_809 = arith.constant 0 : i32
        %dma_wait3A_810 = arith.constant 250 : i32
        %dma_wait3A_811 = arith.constant 0 : i32
        %dma_wait3A_812 = tpu.memref_slice %arg6[%dma_wait3A_809, %dma_wait3A_810, %dma_wait3A_811] : memref<2x400x128xf32, #tpu.memory_space<vmem>> -> memref<1x50x128xf32, #tpu.memory_space<vmem>>
        %dma_wait3A_813 = tpu.memref_squeeze %dma_wait3A_812 : memref<1x50x128xf32, #tpu.memory_space<vmem>> -> memref<50x128xf32, #tpu.memory_space<vmem>>
        %dma_wait3A_814 = arith.constant 0 : i32
        %dma_wait3A_815 = arith.constant 0 : i32
        %dma_wait3A_816 = tpu.memref_slice %arg4[%add3A_426, %dma_wait3A_814, %dma_wait3A_815] : memref<16384x50x128xf32, #tpu.memory_space<hbm>> -> memref<1x50x128xf32, #tpu.memory_space<hbm>>
        %dma_wait3A_817 = tpu.memref_squeeze %dma_wait3A_816 : memref<1x50x128xf32, #tpu.memory_space<hbm>> -> memref<50x128xf32, #tpu.memory_space<hbm>>
        %dma_wait3A_818 = arith.constant 0 : i32
        %dma_wait3A_819 = arith.constant 0 : i32
        %dma_wait3A_820 = tpu.memref_slice %arg4[%add3A_426, %dma_wait3A_818, %dma_wait3A_819] : memref<16384x50x128xf32, #tpu.memory_space<hbm>> -> memref<1x50x128xf32, #tpu.memory_space<hbm>>
        %dma_wait3A_821 = tpu.memref_squeeze %dma_wait3A_820 : memref<1x50x128xf32, #tpu.memory_space<hbm>> -> memref<50x128xf32, #tpu.memory_space<hbm>>
        %dma_wait3A_822 = arith.constant 250 : i32
        %dma_wait3A_823 = arith.constant 0 : i32
        %dma_wait3A_824 = tpu.memref_slice %arg6[%dma_wait3A_809, %dma_wait3A_822, %dma_wait3A_823] : memref<2x400x128xf32, #tpu.memory_space<vmem>> -> memref<1x50x128xf32, #tpu.memory_space<vmem>>
        %dma_wait3A_825 = tpu.memref_squeeze %dma_wait3A_824 : memref<1x50x128xf32, #tpu.memory_space<vmem>> -> memref<50x128xf32, #tpu.memory_space<vmem>>
        tpu.wait_dma2 semaphore(%arg8 : memref<!tpu.dma_semaphore, #tpu.memory_space<semaphore_mem>>) src(%dma_wait3A_825 : memref<50x128xf32, #tpu.memory_space<vmem>>) dst(%dma_wait3A_821 : memref<50x128xf32, #tpu.memory_space<hbm>>)
        %dma_wait3A_826 = arith.constant 0 : i32
        %dma_wait3A_827 = arith.constant 300 : i32
        %dma_wait3A_828 = arith.constant 0 : i32
        %dma_wait3A_829 = tpu.memref_slice %arg6[%dma_wait3A_826, %dma_wait3A_827, %dma_wait3A_828] : memref<2x400x128xf32, #tpu.memory_space<vmem>> -> memref<1x50x128xf32, #tpu.memory_space<vmem>>
        %dma_wait3A_830 = tpu.memref_squeeze %dma_wait3A_829 : memref<1x50x128xf32, #tpu.memory_space<vmem>> -> memref<50x128xf32, #tpu.memory_space<vmem>>
        %dma_wait3A_831 = arith.constant 0 : i32
        %dma_wait3A_832 = arith.constant 0 : i32
        %dma_wait3A_833 = tpu.memref_slice %arg4[%add3A_445, %dma_wait3A_831, %dma_wait3A_832] : memref<16384x50x128xf32, #tpu.memory_space<hbm>> -> memref<1x50x128xf32, #tpu.memory_space<hbm>>
        %dma_wait3A_834 = tpu.memref_squeeze %dma_wait3A_833 : memref<1x50x128xf32, #tpu.memory_space<hbm>> -> memref<50x128xf32, #tpu.memory_space<hbm>>
        %dma_wait3A_835 = arith.constant 0 : i32
        %dma_wait3A_836 = arith.constant 0 : i32
        %dma_wait3A_837 = tpu.memref_slice %arg4[%add3A_445, %dma_wait3A_835, %dma_wait3A_836] : memref<16384x50x128xf32, #tpu.memory_space<hbm>> -> memref<1x50x128xf32, #tpu.memory_space<hbm>>
        %dma_wait3A_838 = tpu.memref_squeeze %dma_wait3A_837 : memref<1x50x128xf32, #tpu.memory_space<hbm>> -> memref<50x128xf32, #tpu.memory_space<hbm>>
        %dma_wait3A_839 = arith.constant 300 : i32
        %dma_wait3A_840 = arith.constant 0 : i32
        %dma_wait3A_841 = tpu.memref_slice %arg6[%dma_wait3A_826, %dma_wait3A_839, %dma_wait3A_840] : memref<2x400x128xf32, #tpu.memory_space<vmem>> -> memref<1x50x128xf32, #tpu.memory_space<vmem>>
        %dma_wait3A_842 = tpu.memref_squeeze %dma_wait3A_841 : memref<1x50x128xf32, #tpu.memory_space<vmem>> -> memref<50x128xf32, #tpu.memory_space<vmem>>
        tpu.wait_dma2 semaphore(%arg8 : memref<!tpu.dma_semaphore, #tpu.memory_space<semaphore_mem>>) src(%dma_wait3A_842 : memref<50x128xf32, #tpu.memory_space<vmem>>) dst(%dma_wait3A_838 : memref<50x128xf32, #tpu.memory_space<hbm>>)
        %dma_wait3A_843 = arith.constant 0 : i32
        %dma_wait3A_844 = arith.constant 350 : i32
        %dma_wait3A_845 = arith.constant 0 : i32
        %dma_wait3A_846 = tpu.memref_slice %arg6[%dma_wait3A_843, %dma_wait3A_844, %dma_wait3A_845] : memref<2x400x128xf32, #tpu.memory_space<vmem>> -> memref<1x50x128xf32, #tpu.memory_space<vmem>>
        %dma_wait3A_847 = tpu.memref_squeeze %dma_wait3A_846 : memref<1x50x128xf32, #tpu.memory_space<vmem>> -> memref<50x128xf32, #tpu.memory_space<vmem>>
        %dma_wait3A_848 = arith.constant 0 : i32
        %dma_wait3A_849 = arith.constant 0 : i32
        %dma_wait3A_850 = tpu.memref_slice %arg4[%add3A_464, %dma_wait3A_848, %dma_wait3A_849] : memref<16384x50x128xf32, #tpu.memory_space<hbm>> -> memref<1x50x128xf32, #tpu.memory_space<hbm>>
        %dma_wait3A_851 = tpu.memref_squeeze %dma_wait3A_850 : memref<1x50x128xf32, #tpu.memory_space<hbm>> -> memref<50x128xf32, #tpu.memory_space<hbm>>
        %dma_wait3A_852 = arith.constant 0 : i32
        %dma_wait3A_853 = arith.constant 0 : i32
        %dma_wait3A_854 = tpu.memref_slice %arg4[%add3A_464, %dma_wait3A_852, %dma_wait3A_853] : memref<16384x50x128xf32, #tpu.memory_space<hbm>> -> memref<1x50x128xf32, #tpu.memory_space<hbm>>
        %dma_wait3A_855 = tpu.memref_squeeze %dma_wait3A_854 : memref<1x50x128xf32, #tpu.memory_space<hbm>> -> memref<50x128xf32, #tpu.memory_space<hbm>>
        %dma_wait3A_856 = arith.constant 350 : i32
        %dma_wait3A_857 = arith.constant 0 : i32
        %dma_wait3A_858 = tpu.memref_slice %arg6[%dma_wait3A_843, %dma_wait3A_856, %dma_wait3A_857] : memref<2x400x128xf32, #tpu.memory_space<vmem>> -> memref<1x50x128xf32, #tpu.memory_space<vmem>>
        %dma_wait3A_859 = tpu.memref_squeeze %dma_wait3A_858 : memref<1x50x128xf32, #tpu.memory_space<vmem>> -> memref<50x128xf32, #tpu.memory_space<vmem>>
        tpu.wait_dma2 semaphore(%arg8 : memref<!tpu.dma_semaphore, #tpu.memory_space<semaphore_mem>>) src(%dma_wait3A_859 : memref<50x128xf32, #tpu.memory_space<vmem>>) dst(%dma_wait3A_855 : memref<50x128xf32, #tpu.memory_space<hbm>>)
        %dma_wait3A_860 = arith.constant 1 : i32
        %dma_wait3A_861 = arith.constant 0 : i32
        %dma_wait3A_862 = arith.constant 0 : i32
        %dma_wait3A_863 = tpu.memref_slice %arg6[%dma_wait3A_860, %dma_wait3A_861, %dma_wait3A_862] : memref<2x400x128xf32, #tpu.memory_space<vmem>> -> memref<1x50x128xf32, #tpu.memory_space<vmem>>
        %dma_wait3A_864 = tpu.memref_squeeze %dma_wait3A_863 : memref<1x50x128xf32, #tpu.memory_space<vmem>> -> memref<50x128xf32, #tpu.memory_space<vmem>>
        %dma_wait3A_865 = arith.constant 0 : i32
        %dma_wait3A_866 = arith.constant 0 : i32
        %dma_wait3A_867 = tpu.memref_slice %arg4[%add3A_573, %dma_wait3A_865, %dma_wait3A_866] : memref<16384x50x128xf32, #tpu.memory_space<hbm>> -> memref<1x50x128xf32, #tpu.memory_space<hbm>>
        %dma_wait3A_868 = tpu.memref_squeeze %dma_wait3A_867 : memref<1x50x128xf32, #tpu.memory_space<hbm>> -> memref<50x128xf32, #tpu.memory_space<hbm>>
        %dma_wait3A_869 = arith.constant 0 : i32
        %dma_wait3A_870 = arith.constant 0 : i32
        %dma_wait3A_871 = tpu.memref_slice %arg4[%add3A_573, %dma_wait3A_869, %dma_wait3A_870] : memref<16384x50x128xf32, #tpu.memory_space<hbm>> -> memref<1x50x128xf32, #tpu.memory_space<hbm>>
        %dma_wait3A_872 = tpu.memref_squeeze %dma_wait3A_871 : memref<1x50x128xf32, #tpu.memory_space<hbm>> -> memref<50x128xf32, #tpu.memory_space<hbm>>
        %dma_wait3A_873 = arith.constant 0 : i32
        %dma_wait3A_874 = arith.constant 0 : i32
        %dma_wait3A_875 = tpu.memref_slice %arg6[%dma_wait3A_860, %dma_wait3A_873, %dma_wait3A_874] : memref<2x400x128xf32, #tpu.memory_space<vmem>> -> memref<1x50x128xf32, #tpu.memory_space<vmem>>
        %dma_wait3A_876 = tpu.memref_squeeze %dma_wait3A_875 : memref<1x50x128xf32, #tpu.memory_space<vmem>> -> memref<50x128xf32, #tpu.memory_space<vmem>>
        tpu.wait_dma2 semaphore(%arg8 : memref<!tpu.dma_semaphore, #tpu.memory_space<semaphore_mem>>) src(%dma_wait3A_876 : memref<50x128xf32, #tpu.memory_space<vmem>>) dst(%dma_wait3A_872 : memref<50x128xf32, #tpu.memory_space<hbm>>)
        %dma_wait3A_877 = arith.constant 1 : i32
        %dma_wait3A_878 = arith.constant 50 : i32
        %dma_wait3A_879 = arith.constant 0 : i32
        %dma_wait3A_880 = tpu.memref_slice %arg6[%dma_wait3A_877, %dma_wait3A_878, %dma_wait3A_879] : memref<2x400x128xf32, #tpu.memory_space<vmem>> -> memref<1x50x128xf32, #tpu.memory_space<vmem>>
        %dma_wait3A_881 = tpu.memref_squeeze %dma_wait3A_880 : memref<1x50x128xf32, #tpu.memory_space<vmem>> -> memref<50x128xf32, #tpu.memory_space<vmem>>
        %dma_wait3A_882 = arith.constant 0 : i32
        %dma_wait3A_883 = arith.constant 0 : i32
        %dma_wait3A_884 = tpu.memref_slice %arg4[%add3A_592, %dma_wait3A_882, %dma_wait3A_883] : memref<16384x50x128xf32, #tpu.memory_space<hbm>> -> memref<1x50x128xf32, #tpu.memory_space<hbm>>
        %dma_wait3A_885 = tpu.memref_squeeze %dma_wait3A_884 : memref<1x50x128xf32, #tpu.memory_space<hbm>> -> memref<50x128xf32, #tpu.memory_space<hbm>>
        %dma_wait3A_886 = arith.constant 0 : i32
        %dma_wait3A_887 = arith.constant 0 : i32
        %dma_wait3A_888 = tpu.memref_slice %arg4[%add3A_592, %dma_wait3A_886, %dma_wait3A_887] : memref<16384x50x128xf32, #tpu.memory_space<hbm>> -> memref<1x50x128xf32, #tpu.memory_space<hbm>>
        %dma_wait3A_889 = tpu.memref_squeeze %dma_wait3A_888 : memref<1x50x128xf32, #tpu.memory_space<hbm>> -> memref<50x128xf32, #tpu.memory_space<hbm>>
        %dma_wait3A_890 = arith.constant 50 : i32
        %dma_wait3A_891 = arith.constant 0 : i32
        %dma_wait3A_892 = tpu.memref_slice %arg6[%dma_wait3A_877, %dma_wait3A_890, %dma_wait3A_891] : memref<2x400x128xf32, #tpu.memory_space<vmem>> -> memref<1x50x128xf32, #tpu.memory_space<vmem>>
        %dma_wait3A_893 = tpu.memref_squeeze %dma_wait3A_892 : memref<1x50x128xf32, #tpu.memory_space<vmem>> -> memref<50x128xf32, #tpu.memory_space<vmem>>
        tpu.wait_dma2 semaphore(%arg8 : memref<!tpu.dma_semaphore, #tpu.memory_space<semaphore_mem>>) src(%dma_wait3A_893 : memref<50x128xf32, #tpu.memory_space<vmem>>) dst(%dma_wait3A_889 : memref<50x128xf32, #tpu.memory_space<hbm>>)
        %dma_wait3A_894 = arith.constant 1 : i32
        %dma_wait3A_895 = arith.constant 100 : i32
        %dma_wait3A_896 = arith.constant 0 : i32
        %dma_wait3A_897 = tpu.memref_slice %arg6[%dma_wait3A_894, %dma_wait3A_895, %dma_wait3A_896] : memref<2x400x128xf32, #tpu.memory_space<vmem>> -> memref<1x50x128xf32, #tpu.memory_space<vmem>>
        %dma_wait3A_898 = tpu.memref_squeeze %dma_wait3A_897 : memref<1x50x128xf32, #tpu.memory_space<vmem>> -> memref<50x128xf32, #tpu.memory_space<vmem>>
        %dma_wait3A_899 = arith.constant 0 : i32
        %dma_wait3A_900 = arith.constant 0 : i32
        %dma_wait3A_901 = tpu.memref_slice %arg4[%add3A_611, %dma_wait3A_899, %dma_wait3A_900] : memref<16384x50x128xf32, #tpu.memory_space<hbm>> -> memref<1x50x128xf32, #tpu.memory_space<hbm>>
        %dma_wait3A_902 = tpu.memref_squeeze %dma_wait3A_901 : memref<1x50x128xf32, #tpu.memory_space<hbm>> -> memref<50x128xf32, #tpu.memory_space<hbm>>
        %dma_wait3A_903 = arith.constant 0 : i32
        %dma_wait3A_904 = arith.constant 0 : i32
        %dma_wait3A_905 = tpu.memref_slice %arg4[%add3A_611, %dma_wait3A_903, %dma_wait3A_904] : memref<16384x50x128xf32, #tpu.memory_space<hbm>> -> memref<1x50x128xf32, #tpu.memory_space<hbm>>
        %dma_wait3A_906 = tpu.memref_squeeze %dma_wait3A_905 : memref<1x50x128xf32, #tpu.memory_space<hbm>> -> memref<50x128xf32, #tpu.memory_space<hbm>>
        %dma_wait3A_907 = arith.constant 100 : i32
        %dma_wait3A_908 = arith.constant 0 : i32
        %dma_wait3A_909 = tpu.memref_slice %arg6[%dma_wait3A_894, %dma_wait3A_907, %dma_wait3A_908] : memref<2x400x128xf32, #tpu.memory_space<vmem>> -> memref<1x50x128xf32, #tpu.memory_space<vmem>>
        %dma_wait3A_910 = tpu.memref_squeeze %dma_wait3A_909 : memref<1x50x128xf32, #tpu.memory_space<vmem>> -> memref<50x128xf32, #tpu.memory_space<vmem>>
        tpu.wait_dma2 semaphore(%arg8 : memref<!tpu.dma_semaphore, #tpu.memory_space<semaphore_mem>>) src(%dma_wait3A_910 : memref<50x128xf32, #tpu.memory_space<vmem>>) dst(%dma_wait3A_906 : memref<50x128xf32, #tpu.memory_space<hbm>>)
        %dma_wait3A_911 = arith.constant 1 : i32
        %dma_wait3A_912 = arith.constant 150 : i32
        %dma_wait3A_913 = arith.constant 0 : i32
        %dma_wait3A_914 = tpu.memref_slice %arg6[%dma_wait3A_911, %dma_wait3A_912, %dma_wait3A_913] : memref<2x400x128xf32, #tpu.memory_space<vmem>> -> memref<1x50x128xf32, #tpu.memory_space<vmem>>
        %dma_wait3A_915 = tpu.memref_squeeze %dma_wait3A_914 : memref<1x50x128xf32, #tpu.memory_space<vmem>> -> memref<50x128xf32, #tpu.memory_space<vmem>>
        %dma_wait3A_916 = arith.constant 0 : i32
        %dma_wait3A_917 = arith.constant 0 : i32
        %dma_wait3A_918 = tpu.memref_slice %arg4[%add3A_630, %dma_wait3A_916, %dma_wait3A_917] : memref<16384x50x128xf32, #tpu.memory_space<hbm>> -> memref<1x50x128xf32, #tpu.memory_space<hbm>>
        %dma_wait3A_919 = tpu.memref_squeeze %dma_wait3A_918 : memref<1x50x128xf32, #tpu.memory_space<hbm>> -> memref<50x128xf32, #tpu.memory_space<hbm>>
        %dma_wait3A_920 = arith.constant 0 : i32
        %dma_wait3A_921 = arith.constant 0 : i32
        %dma_wait3A_922 = tpu.memref_slice %arg4[%add3A_630, %dma_wait3A_920, %dma_wait3A_921] : memref<16384x50x128xf32, #tpu.memory_space<hbm>> -> memref<1x50x128xf32, #tpu.memory_space<hbm>>
        %dma_wait3A_923 = tpu.memref_squeeze %dma_wait3A_922 : memref<1x50x128xf32, #tpu.memory_space<hbm>> -> memref<50x128xf32, #tpu.memory_space<hbm>>
        %dma_wait3A_924 = arith.constant 150 : i32
        %dma_wait3A_925 = arith.constant 0 : i32
        %dma_wait3A_926 = tpu.memref_slice %arg6[%dma_wait3A_911, %dma_wait3A_924, %dma_wait3A_925] : memref<2x400x128xf32, #tpu.memory_space<vmem>> -> memref<1x50x128xf32, #tpu.memory_space<vmem>>
        %dma_wait3A_927 = tpu.memref_squeeze %dma_wait3A_926 : memref<1x50x128xf32, #tpu.memory_space<vmem>> -> memref<50x128xf32, #tpu.memory_space<vmem>>
        tpu.wait_dma2 semaphore(%arg8 : memref<!tpu.dma_semaphore, #tpu.memory_space<semaphore_mem>>) src(%dma_wait3A_927 : memref<50x128xf32, #tpu.memory_space<vmem>>) dst(%dma_wait3A_923 : memref<50x128xf32, #tpu.memory_space<hbm>>)
        %dma_wait3A_928 = arith.constant 1 : i32
        %dma_wait3A_929 = arith.constant 200 : i32
        %dma_wait3A_930 = arith.constant 0 : i32
        %dma_wait3A_931 = tpu.memref_slice %arg6[%dma_wait3A_928, %dma_wait3A_929, %dma_wait3A_930] : memref<2x400x128xf32, #tpu.memory_space<vmem>> -> memref<1x50x128xf32, #tpu.memory_space<vmem>>
        %dma_wait3A_932 = tpu.memref_squeeze %dma_wait3A_931 : memref<1x50x128xf32, #tpu.memory_space<vmem>> -> memref<50x128xf32, #tpu.memory_space<vmem>>
        %dma_wait3A_933 = arith.constant 0 : i32
        %dma_wait3A_934 = arith.constant 0 : i32
        %dma_wait3A_935 = tpu.memref_slice %arg4[%add3A_649, %dma_wait3A_933, %dma_wait3A_934] : memref<16384x50x128xf32, #tpu.memory_space<hbm>> -> memref<1x50x128xf32, #tpu.memory_space<hbm>>
        %dma_wait3A_936 = tpu.memref_squeeze %dma_wait3A_935 : memref<1x50x128xf32, #tpu.memory_space<hbm>> -> memref<50x128xf32, #tpu.memory_space<hbm>>
        %dma_wait3A_937 = arith.constant 0 : i32
        %dma_wait3A_938 = arith.constant 0 : i32
        %dma_wait3A_939 = tpu.memref_slice %arg4[%add3A_649, %dma_wait3A_937, %dma_wait3A_938] : memref<16384x50x128xf32, #tpu.memory_space<hbm>> -> memref<1x50x128xf32, #tpu.memory_space<hbm>>
        %dma_wait3A_940 = tpu.memref_squeeze %dma_wait3A_939 : memref<1x50x128xf32, #tpu.memory_space<hbm>> -> memref<50x128xf32, #tpu.memory_space<hbm>>
        %dma_wait3A_941 = arith.constant 200 : i32
        %dma_wait3A_942 = arith.constant 0 : i32
        %dma_wait3A_943 = tpu.memref_slice %arg6[%dma_wait3A_928, %dma_wait3A_941, %dma_wait3A_942] : memref<2x400x128xf32, #tpu.memory_space<vmem>> -> memref<1x50x128xf32, #tpu.memory_space<vmem>>
        %dma_wait3A_944 = tpu.memref_squeeze %dma_wait3A_943 : memref<1x50x128xf32, #tpu.memory_space<vmem>> -> memref<50x128xf32, #tpu.memory_space<vmem>>
        tpu.wait_dma2 semaphore(%arg8 : memref<!tpu.dma_semaphore, #tpu.memory_space<semaphore_mem>>) src(%dma_wait3A_944 : memref<50x128xf32, #tpu.memory_space<vmem>>) dst(%dma_wait3A_940 : memref<50x128xf32, #tpu.memory_space<hbm>>)
        %dma_wait3A_945 = arith.constant 1 : i32
        %dma_wait3A_946 = arith.constant 250 : i32
        %dma_wait3A_947 = arith.constant 0 : i32
        %dma_wait3A_948 = tpu.memref_slice %arg6[%dma_wait3A_945, %dma_wait3A_946, %dma_wait3A_947] : memref<2x400x128xf32, #tpu.memory_space<vmem>> -> memref<1x50x128xf32, #tpu.memory_space<vmem>>
        %dma_wait3A_949 = tpu.memref_squeeze %dma_wait3A_948 : memref<1x50x128xf32, #tpu.memory_space<vmem>> -> memref<50x128xf32, #tpu.memory_space<vmem>>
        %dma_wait3A_950 = arith.constant 0 : i32
        %dma_wait3A_951 = arith.constant 0 : i32
        %dma_wait3A_952 = tpu.memref_slice %arg4[%add3A_668, %dma_wait3A_950, %dma_wait3A_951] : memref<16384x50x128xf32, #tpu.memory_space<hbm>> -> memref<1x50x128xf32, #tpu.memory_space<hbm>>
        %dma_wait3A_953 = tpu.memref_squeeze %dma_wait3A_952 : memref<1x50x128xf32, #tpu.memory_space<hbm>> -> memref<50x128xf32, #tpu.memory_space<hbm>>
        %dma_wait3A_954 = arith.constant 0 : i32
        %dma_wait3A_955 = arith.constant 0 : i32
        %dma_wait3A_956 = tpu.memref_slice %arg4[%add3A_668, %dma_wait3A_954, %dma_wait3A_955] : memref<16384x50x128xf32, #tpu.memory_space<hbm>> -> memref<1x50x128xf32, #tpu.memory_space<hbm>>
        %dma_wait3A_957 = tpu.memref_squeeze %dma_wait3A_956 : memref<1x50x128xf32, #tpu.memory_space<hbm>> -> memref<50x128xf32, #tpu.memory_space<hbm>>
        %dma_wait3A_958 = arith.constant 250 : i32
        %dma_wait3A_959 = arith.constant 0 : i32
        %dma_wait3A_960 = tpu.memref_slice %arg6[%dma_wait3A_945, %dma_wait3A_958, %dma_wait3A_959] : memref<2x400x128xf32, #tpu.memory_space<vmem>> -> memref<1x50x128xf32, #tpu.memory_space<vmem>>
        %dma_wait3A_961 = tpu.memref_squeeze %dma_wait3A_960 : memref<1x50x128xf32, #tpu.memory_space<vmem>> -> memref<50x128xf32, #tpu.memory_space<vmem>>
        tpu.wait_dma2 semaphore(%arg8 : memref<!tpu.dma_semaphore, #tpu.memory_space<semaphore_mem>>) src(%dma_wait3A_961 : memref<50x128xf32, #tpu.memory_space<vmem>>) dst(%dma_wait3A_957 : memref<50x128xf32, #tpu.memory_space<hbm>>)
        %dma_wait3A_962 = arith.constant 1 : i32
        %dma_wait3A_963 = arith.constant 300 : i32
        %dma_wait3A_964 = arith.constant 0 : i32
        %dma_wait3A_965 = tpu.memref_slice %arg6[%dma_wait3A_962, %dma_wait3A_963, %dma_wait3A_964] : memref<2x400x128xf32, #tpu.memory_space<vmem>> -> memref<1x50x128xf32, #tpu.memory_space<vmem>>
        %dma_wait3A_966 = tpu.memref_squeeze %dma_wait3A_965 : memref<1x50x128xf32, #tpu.memory_space<vmem>> -> memref<50x128xf32, #tpu.memory_space<vmem>>
        %dma_wait3A_967 = arith.constant 0 : i32
        %dma_wait3A_968 = arith.constant 0 : i32
        %dma_wait3A_969 = tpu.memref_slice %arg4[%add3A_687, %dma_wait3A_967, %dma_wait3A_968] : memref<16384x50x128xf32, #tpu.memory_space<hbm>> -> memref<1x50x128xf32, #tpu.memory_space<hbm>>
        %dma_wait3A_970 = tpu.memref_squeeze %dma_wait3A_969 : memref<1x50x128xf32, #tpu.memory_space<hbm>> -> memref<50x128xf32, #tpu.memory_space<hbm>>
        %dma_wait3A_971 = arith.constant 0 : i32
        %dma_wait3A_972 = arith.constant 0 : i32
        %dma_wait3A_973 = tpu.memref_slice %arg4[%add3A_687, %dma_wait3A_971, %dma_wait3A_972] : memref<16384x50x128xf32, #tpu.memory_space<hbm>> -> memref<1x50x128xf32, #tpu.memory_space<hbm>>
        %dma_wait3A_974 = tpu.memref_squeeze %dma_wait3A_973 : memref<1x50x128xf32, #tpu.memory_space<hbm>> -> memref<50x128xf32, #tpu.memory_space<hbm>>
        %dma_wait3A_975 = arith.constant 300 : i32
        %dma_wait3A_976 = arith.constant 0 : i32
        %dma_wait3A_977 = tpu.memref_slice %arg6[%dma_wait3A_962, %dma_wait3A_975, %dma_wait3A_976] : memref<2x400x128xf32, #tpu.memory_space<vmem>> -> memref<1x50x128xf32, #tpu.memory_space<vmem>>
        %dma_wait3A_978 = tpu.memref_squeeze %dma_wait3A_977 : memref<1x50x128xf32, #tpu.memory_space<vmem>> -> memref<50x128xf32, #tpu.memory_space<vmem>>
        tpu.wait_dma2 semaphore(%arg8 : memref<!tpu.dma_semaphore, #tpu.memory_space<semaphore_mem>>) src(%dma_wait3A_978 : memref<50x128xf32, #tpu.memory_space<vmem>>) dst(%dma_wait3A_974 : memref<50x128xf32, #tpu.memory_space<hbm>>)
        %dma_wait3A_979 = arith.constant 1 : i32
        %dma_wait3A_980 = arith.constant 350 : i32
        %dma_wait3A_981 = arith.constant 0 : i32
        %dma_wait3A_982 = tpu.memref_slice %arg6[%dma_wait3A_979, %dma_wait3A_980, %dma_wait3A_981] : memref<2x400x128xf32, #tpu.memory_space<vmem>> -> memref<1x50x128xf32, #tpu.memory_space<vmem>>
        %dma_wait3A_983 = tpu.memref_squeeze %dma_wait3A_982 : memref<1x50x128xf32, #tpu.memory_space<vmem>> -> memref<50x128xf32, #tpu.memory_space<vmem>>
        %dma_wait3A_984 = arith.constant 0 : i32
        %dma_wait3A_985 = arith.constant 0 : i32
        %dma_wait3A_986 = tpu.memref_slice %arg4[%add3A_706, %dma_wait3A_984, %dma_wait3A_985] : memref<16384x50x128xf32, #tpu.memory_space<hbm>> -> memref<1x50x128xf32, #tpu.memory_space<hbm>>
        %dma_wait3A_987 = tpu.memref_squeeze %dma_wait3A_986 : memref<1x50x128xf32, #tpu.memory_space<hbm>> -> memref<50x128xf32, #tpu.memory_space<hbm>>
        %dma_wait3A_988 = arith.constant 0 : i32
        %dma_wait3A_989 = arith.constant 0 : i32
        %dma_wait3A_990 = tpu.memref_slice %arg4[%add3A_706, %dma_wait3A_988, %dma_wait3A_989] : memref<16384x50x128xf32, #tpu.memory_space<hbm>> -> memref<1x50x128xf32, #tpu.memory_space<hbm>>
        %dma_wait3A_991 = tpu.memref_squeeze %dma_wait3A_990 : memref<1x50x128xf32, #tpu.memory_space<hbm>> -> memref<50x128xf32, #tpu.memory_space<hbm>>
        %dma_wait3A_992 = arith.constant 350 : i32
        %dma_wait3A_993 = arith.constant 0 : i32
        %dma_wait3A_994 = tpu.memref_slice %arg6[%dma_wait3A_979, %dma_wait3A_992, %dma_wait3A_993] : memref<2x400x128xf32, #tpu.memory_space<vmem>> -> memref<1x50x128xf32, #tpu.memory_space<vmem>>
        %dma_wait3A_995 = tpu.memref_squeeze %dma_wait3A_994 : memref<1x50x128xf32, #tpu.memory_space<vmem>> -> memref<50x128xf32, #tpu.memory_space<vmem>>
        tpu.wait_dma2 semaphore(%arg8 : memref<!tpu.dma_semaphore, #tpu.memory_space<semaphore_mem>>) src(%dma_wait3A_995 : memref<50x128xf32, #tpu.memory_space<vmem>>) dst(%dma_wait3A_991 : memref<50x128xf32, #tpu.memory_space<hbm>>)
      }
      %scan3A_19 = arith.constant 8 : i32
    }
    %scan3A_6 = arith.constant 4 : i32
    return
  }
}

</mosaic_0001>

<sc_bundles>
// kernel: kernel.3.cloned.1.call-start
scs
__scs_entry_jumppad:
0x0: {  	(pc) =	sbr.rel $0x88, $3  }
0x1: {  	(tag) =	ssettag $0x0;
	lr =	simm.s32 $0x1  }
0x2: {  	[smem:$0x3F9F] =	sst lr;
	_ =	strace $0xD0000000  }
0x3: {  	_ = 	snop  }
0x4: {  	_ = 	snop  }
0x5: {  	_ = 	snop  }
0x6: {  	_ = 	snop  }
0x7: {  	_ = 	snop  }
__scs_overlays_trampoline_lowered:
0x8: {  	[smem:$0x3FAE] =	sst s0  }
0x9: {  	[smem:$0x3FAF] =	sst s1  }
0xa: {  	[smem:$0x3FB0] =	sst s2  }
0xb: {  	[smem:$0x3FB1] =	sst s3  }
0xc: {  	[smem:$0x3FB2] =	sst s4  }
0xd: {  	[smem:$0x3FB3] =	sst s5  }
0xe: {  	[smem:$0x3FB4] =	sst s6  }
0xf: {  	[smem:$0x3FB5] =	sst s7  }
0x10: {  	[smem:$0x3FB6] =	sst s8  }
0x11: {  	[smem:$0x3FB7] =	sst s9;
	s0 =	simm.s32 @!p0 $0x0  }
0x12: {  	s1 =	sld [smem:$0x3F9D];
	s0 =	simm.s32 @p0 $0x1  }
0x13: {  	[smem:$0x3FB8] =	sst s0;
	s0 =	simm.s32 @!p1 $0x0  }
0x14: {  	s2 =	sld [smem:$0x3F9C];
	s0 =	simm.s32 @p1 $0x1  }
0x15: {  	[smem:$0x3FB9] =	sst s0;
	s0 =	simm.s32 @!p2 $0x0  }
0x16: {  	s3 =	sld [smem:$0x3FDB];
	s0 =	simm.s32 @p2 $0x1  }
0x17: {  	s4 =	simm.s32 $0x1BF5;
	[smem:$0x3FBB] =	sst s0  }
0x18: {  	s0 =	sld [smem:$0x3F9E];
	_ =	swait.ge [sflag:s4], $0x0  }
0x19: {  	s7 =	sld [smem:$0x3F9F]  }
0x1a: {  	s8 =	sadd.s32 $0xFFFFE003, lr  }
0x1b: {  	s9 =	sadd.s32 $0xFFFFFEF7, lr;
	s5 =	simm.s32 $0xFFFFFFFF;
	p2 =	slt.u32 s8, $0xFFFFF086  }
0x1c: {  	p1 =	slt.u32 s9, $0xF7A;
	s5 =	simm.s32 @!p2 $0x0  }
0x1d: {  	s5 =	simm.s32 @p1 $0x1;
	p0 =	seq.s32 s7, s2  }
0x1e: {  	s7 =	smul.u32 @!p0 $0xF7A, s2;
	p2 =	seq.s32 @!p0 s5, $0x0  }
0x1f: {  	s9 =	smul.u32 $0xF7A, s1;
	s8 =	simm.s32 @!p0 $0x1BF5;
	p2 =	por !p2, p0  }
0x20: {  	[sflag:s8] =	ssyncset.s32 @!p0 $0xFFFFF086;
	s6 =	sadd.s32 @!p0 s3, s7;
	s7 =	simm.s32 @!p0 $0x108  }
0x21: {  	s3 =	sadd.s32 s3, s9;
	s6 =	sadd.s32 @!p0 $0x88, s6;
	s7 =	simm.s32 @p2 $0x1082  }
0x22: {  	[simem:s7], [sflag:s8] =	dma.local @!p0 [hbm:s6], $0xF7A  }
0x23: {  	s9 =	sor.u32 $0xD0000000, s2;
	s6 =	simm.s32 $0x108;
	_ =	swait.ge @!p0 [sflag:s8], $0x0  }
0x24: {  	s3 =	sadd.s32 $0x88, s3;
	s6 =	simm.s32 @!p1 $0x1082;
	[sflag:s4] =	ssyncset.s32 $0xFFFFF086  }
0x25: {  	[simem:s6], [sflag:s4] =	dma.local [hbm:s3], $0xF7A  }
0x26: {  	[smem:$0x3F9F] =	sst s1;
	(tag) =	ssettag s2;
	_ =	strace s9  }
0x27: {  	s1 =	sld [smem:$0x3FAF]  }
0x28: {  	s2 =	sld [smem:$0x3FB0]  }
0x29: {  	s4 =	sld [smem:$0x3FB2]  }
0x2a: {  	p0 =	seq.s32 s5, $0x0;
	s5 =	sld [smem:$0x3FB3]  }
0x2b: {  	s6 =	sld [smem:$0x3FB4]  }
0x2c: {  	s7 =	sld [smem:$0x3FB5]  }
0x2d: {  	s3 =	simm.s32 $0x108;
	s8 =	sld [smem:$0x3FB6]  }
0x2e: {  	s3 =	simm.s32 @!p0 $0x1082;
	s9 =	sld [smem:$0x3FB7]  }
0x2f: {  	lr =	sadd.s32 s0, s3;
	s0 =	sld [smem:$0x3FAE]  }
0x30: {  	s3 =	sld [smem:$0x3FB1]  }
0x31: {  	[smem:$0x3FBA] =	sst s10  }
0x32: {  	s10 =	sld [smem:$0x3FB8];
	_ =	sdelay $0x3  }
0x33: {  	p0 =	seq.s32 s10, $0x1;
	s10 =	sld [smem:$0x3FBA];
	_ =	sdelay $0x3  }
0x34: {  	[smem:$0x3FBA] =	sst s10  }
0x35: {  	s10 =	sld [smem:$0x3FB9];
	_ =	sdelay $0x3  }
0x36: {  	p1 =	seq.s32 s10, $0x1;
	s10 =	sld [smem:$0x3FBA];
	_ =	sdelay $0x3  }
0x37: {  	[smem:$0x3FBA] =	sst s10  }
0x38: {  	s10 =	sld [smem:$0x3FBB]  }
0x39: {  	_ = 	snop;
	(pc) =	sbr.ind lr, $3  }
0x3a: {  	_ = 	snop  }
0x3b: {  	_ = 	snop  }
0x3c: {  	p2 =	seq.s32 s10, $0x1;
	s10 =	sld [smem:$0x3FBA]  }
0x3d: {  	_ =	shalt  }
0x3e: {  	_ =	shalt  }
0x3f: {  	_ =	shalt  }
0x40: {  	_ =	shalt  }
0x41: {  	_ =	shalt  }
0x42: {  	_ =	shalt  }
0x43: {  	_ =	shalt  }
0x44: {  	_ =	shalt  }
0x45: {  	_ =	shalt  }
0x46: {  	_ =	shalt  }
0x47: {  	_ =	shalt  }
0x48: {  	_ =	shalt  }
0x49: {  	_ =	shalt  }
0x4a: {  	_ =	shalt  }
0x4b: {  	_ =	shalt  }
0x4c: {  	_ =	shalt  }
0x4d: {  	_ =	shalt  }
0x4e: {  	_ =	shalt  }
0x4f: {  	_ =	shalt  }
0x50: {  	_ =	shalt  }
0x51: {  	_ =	shalt  }
0x52: {  	_ =	shalt  }
0x53: {  	_ =	shalt  }
0x54: {  	_ =	shalt  }
0x55: {  	_ =	shalt  }
0x56: {  	_ =	shalt  }
0x57: {  	_ =	shalt  }
0x58: {  	_ =	shalt  }
0x59: {  	_ =	shalt  }
0x5a: {  	_ =	shalt  }
0x5b: {  	_ =	shalt  }
0x5c: {  	_ =	shalt  }
0x5d: {  	_ =	shalt  }
0x5e: {  	_ =	shalt  }
0x5f: {  	_ =	shalt  }
0x60: {  	_ =	shalt  }
0x61: {  	_ =	shalt  }
0x62: {  	_ =	shalt  }
0x63: {  	_ =	shalt  }
0x64: {  	_ =	shalt  }
0x65: {  	_ =	shalt  }
0x66: {  	_ =	shalt  }
0x67: {  	_ =	shalt  }
0x68: {  	_ =	shalt  }
0x69: {  	_ =	shalt  }
0x6a: {  	_ =	shalt  }
0x6b: {  	_ =	shalt  }
0x6c: {  	_ =	shalt  }
0x6d: {  	_ =	shalt  }
0x6e: {  	_ =	shalt  }
0x6f: {  	_ =	shalt  }
0x70: {  	_ =	shalt  }
0x71: {  	_ =	shalt  }
0x72: {  	_ =	shalt  }
0x73: {  	_ =	shalt  }
0x74: {  	_ =	shalt  }
0x75: {  	_ =	shalt  }
0x76: {  	_ =	shalt  }
0x77: {  	_ =	shalt  }
0x78: {  	_ =	shalt  }
0x79: {  	_ =	shalt  }
0x7a: {  	_ =	shalt  }
0x7b: {  	_ =	shalt  }
0x7c: {  	_ =	shalt  }
0x7d: {  	_ =	shalt  }
0x7e: {  	_ =	shalt  }
0x7f: {  	_ =	shalt  }
0x80: {  	_ =	shalt  }
0x81: {  	_ =	shalt  }
0x82: {  	_ =	shalt  }
0x83: {  	_ =	shalt  }
0x84: {  	_ =	shalt  }
0x85: {  	_ =	shalt  }
0x86: {  	_ =	shalt  }
0x87: {  	_ =	shalt  }
.Lfunc_end0:
.L_simem_size_0:
called_computation.1_lowered:
.L_overlay_start_0:
0x88: {  	s2 =	sld [smem:$0x3FD9]  }
0x89: {  	s3 =	sld [smem:$0x3FFE];
	_ =	sdelay $0x1  }
0x8a: {  	s1 =	srdreg.scid  }
0x8b: {  	s0 =	sand.u32 $0x1, s1  }
0x8c: {  	s17 =	sshll.u32 s0, $0xA;
	s2 =	sadd.s32 s3, s2  }
0x8d: {  	s2 =	sadd.s32 s2, s17  }
0x8e: {  	[smem:$0x3FC6] =	sst s2  }
0x8f: {  	_ = 	snop  }
0x90: {  	s2 =	sld [smem:$0x3FD0];
	(tm) =	ssettm $0x1  }
0x91: {  	s18 =	sld [smem:$0x3FFB];
	_ =	sdelay $0x3  }
0x92: {  	_ =	strace s18  }
0x93: {  	s3 =	sld [smem:$0x3FFC];
	_ =	sdelay $0x3  }
0x94: {  	_ =	strace s3  }
0x95: {  	s3 =	sld [smem:$0x3FFD];
	_ =	sdelay $0x3  }
0x96: {  	_ =	strace s3  }
0x97: {  	_ =	strace $0x8FFFFFFF  }
0x98: {  	s19 =	sld [smem:$0x3FDB];
	_ =	sdelay $0x1  }
0x99: {  	s4 =	simm.s32 $_scs_section_size  }
0x9a: {  	s5 =	simm.s32 $_size__tile_overlayer_lowered;
	s6 =	simm.s32 $_tile_overlayer_lowered  }
0x9b: {  	s22 =	simm.s32 $0x1BFF;
	s21 =	sshll.u32 s6, $0x1;
	s3 =	sadd.s32 s4, s19  }
0x9c: {  	s7 =	simm.s32 $0x0;
	s20 =	sshll.u32 s5, $0x1;
	s5 =	sadd.s32 s21, s3  }
0x9d: {  	[timem:s7], [sflag:s22] =	dma.local [hbm:s5], s20  }
0x9e: {  	_ =	swait.ge [sflag:s22], s20  }
0x9f: {  	s4 =	ssub.s32 $0x0, s20;
	[sflag:s22] =	ssyncset.done $0x0  }
0xa0: {  	[sflag:s22] =	ssyncadd.s32 s4;
	_ =	sdelay $0x1  }
0xa1: {  	s23 =	simm.s32 $0x1B8B  }
0xa2: {  	_ =	swait.ge [sflag:s23], $0x1  }
0xa3: {  	[sflag:s23] =	ssyncset.done $0x0  }
0xa4: {  	s25 =	simm.s32 $0x1B8E;
	s24 =	sld [smem:$0x3FFE];
	[sflag:s23] =	ssyncadd.s32 $0xFFFFFFFF  }
0xa5: {  	s26 =	simm.s32 $execute0_lowered;
	[smem:$0x3FD2] =	sst s25  }
0xa6: {  	s5 =	sshll.u32 s26, $0x1;
	_ =	strace $0x80000046;
	[dreg:$0x1] =	wrdreg $0xFFFFFFFF  }
0xa7: {  	s28 =	simm.s32 $_size_execute0_lowered;
	s3 =	sadd.s32 s3, s5;
	[dreg:$0x0] =	wrdreg $0x0  }
0xa8: {  	s5 =	sshll.u32 s28, $0x1;
	[dreg:$0x2] =	wrdreg s3  }
0xa9: {  	[dreg:$0x3] =	wrdreg s5  }
0xaa: {  	[dreg:$0x4] =	wrdreg $0xC0  }
0xab: {  	_ =	task [dreg:s7], $0x5FFFF  }
0xac: {  	[dreg:$0x1] =	wrdreg $0xFFFFFFFF  }
0xad: {  	[dreg:$0x0] =	wrdreg $0x60  }
0xae: {  	[dreg:$0x2] =	wrdreg s24  }
0xaf: {  	[dreg:$0x3] =	wrdreg s2  }
0xb0: {  	[dreg:$0x4] =	wrdreg $0x9  }
0xb1: {  	_ =	task.clear_ibuf [dreg:s7], $0x5FFFF;
	_ =	strace $0x90000046  }
0xb2: {  	s29 =	simm.s32 $0x9;
	_ =	strace $0x80000048  }
0xb3: {  	_ =	swait.ge [sflag:s29], $0x1  }
0xb4: {  	[sflag:s29] =	ssyncadd.s32 $0xFFFFFFFF  }
0xb5: {  	_ =	strace $0x90000048  }
0xb6: {  	_ =	sfence  }
0xb7: {  	s30 =	sld [smem:$0x0];
	_ =	sdelay $0x2  }
0xb8: {  	s31 =	sshll.u32 s1, $0xD;
	s1 =	sshrl.u32 s1, $0x2  }
0xb9: {  	s3 =	sand.u32 $0x4000, s31;
	s1 =	sadd.s32 s1, s30  }
0xba: {  	s0 =	sor.u32 s3, s0;
	s1 =	sshll.u32 s1, $0x11  }
0xbb: {  	s0 =	sor.u32 s1, s0  }
0xbc: {  	s0 =	sadd.s32 $0x8F2B, s0  }
0xbd: {  	[sflag:s0] =	ssyncadd.remote.s32 $0x1  }
0xbe: {  	_ =	sfence.sel $0xFFFF  }
0xbf: {  	[dreg:$0x0] =	wrdreg $0xFFFFFFFF;
	(pc) =	sbr.abs _section_cstart, $3  }
0xc0: {  	[dreg:$0x1] =	wrdreg $0xFFFFFFFF  }
0xc1: {  	_ =	task.clear_ibuf [dreg:s7], $0x2FFFF;
	_ =	strace $0x9FFFFFFF  }
0xc2: {  	(tm) =	ssettm $0x7FFFFFFF  }
0xc3: {  	_ =	shalt  }
tec
execute0_lowered:
.L_overlay_start_1:
0x0: {  	(tag) =	ssettag $0x1  }
0x1: {  	s0 =	rddreg [dreg:$0x0]  }
0x2: {  	s1 =	srdreg.scid;
	s2 =	stileid.u32;
	s3 =	simm.s32 $0x0  }
0x3: {  	s28 =	simm.s32 $0x2;
	s1 =	sand.u32 $0x1, s1;
	s5 =	smul.u32 $0x700000, s2  }
0x4: {  	[smem:$0x7FF] =	sst s3;
	s4 =	sadd.s32 $0xF42E00, s0;
	s6 =	smul.u32 $0x380000, s1  }
0x5: {  	s0 =	sadd.s32 $0xA00, s0;
	_ =	strace $0x80000047;
	s29 =	ssub.s32 $0x2, s1  }
0x6: {  	[dreg:$0x11] =	wrdreg s0;
	s7 =	sshrl.u32 s29, $0x1;
	s5 =	sadd.s32 s6, s5  }
0x7: {  	s0 =	ssub.s32 s29, s7;
	s29 =	smul.u32 $0xE0000, s2;
	s6 =	sor.u32 $0x1A400, s5  }
0x8: {  	s8 =	sor.u32 $0x18800, s5;
	s31 =	sor.u32 $0x16C00, s5;
	s10 =	sor.u32 $0x15000, s5  }
0x9: {  	s12 =	sor.u32 $0x13400, s5;
	s14 =	sor.u32 $0x11800, s5;
	s16 =	sor.u32 $0xFC00, s5  }
0xa: {  	s18 =	sor.u32 $0xE000, s5;
	s20 =	sor.u32 $0xC400, s5;
	s22 =	sor.u32 $0xA800, s5  }
0xb: {  	s24 =	sor.u32 $0x8C00, s5;
	s26 =	sor.u32 $0x7000, s5;
	s0 =	smax.u32 s0, $0x1  }
0xc: {  	s5 =	sor.u32 $0x5400, s5;
	s6 =	sshrl.u32 s6, $0x3;
	[dreg:$0x12] =	wrdreg s0  }
0xd: {  	s30 =	sshrl.u32 s8, $0x3;
	s9 =	sshrl.u32 s31, $0x3;
	[dreg:$0x3] =	wrdreg s6  }
0xe: {  	s11 =	sshrl.u32 s10, $0x3;
	s13 =	sshrl.u32 s12, $0x3;
	[dreg:$0x4] =	wrdreg s30  }
0xf: {  	s15 =	sshrl.u32 s14, $0x3;
	s17 =	sshrl.u32 s16, $0x3;
	[dreg:$0x5] =	wrdreg s9  }
0x10: {  	s19 =	sshrl.u32 s18, $0x3;
	s21 =	sshrl.u32 s20, $0x3;
	[dreg:$0x6] =	wrdreg s11  }
0x11: {  	s23 =	sshrl.u32 s22, $0x3;
	s25 =	sshrl.u32 s24, $0x3;
	[dreg:$0x7] =	wrdreg s13  }
0x12: {  	s5 =	sshrl.u32 s5, $0x3;
	s8 =	simm.s32 $0x3;
	[dreg:$0x8] =	wrdreg s15  }
0x13: {  	s10 =	simm.s32 $0x4000;
	s12 =	simm.s32 $0x7200;
	[dreg:$0x9] =	wrdreg s17  }
0x14: {  	s14 =	simm.s32 $0xA400;
	s16 =	simm.s32 $0xD600;
	[dreg:$0xa] =	wrdreg s19  }
0x15: {  	s18 =	simm.s32 $0x10800;
	s20 =	simm.s32 $0x13A00;
	[dreg:$0xb] =	wrdreg s21  }
0x16: {  	s22 =	simm.s32 $0x16C00;
	s24 =	simm.s32 $0x19E00;
	[dreg:$0xc] =	wrdreg s23  }
0x17: {  	[dreg:$0xd] =	wrdreg s25;
	s6 =	sshrl.u32 s26, $0x3;
	s30 =	smul.u32 $0x70000, s1  }
0x18: {  	s9 =	sshll.u32 s2, $0xA;
	s1 =	sshll.u32 s1, $0x9;
	[dreg:$0xf] =	wrdreg s5  }
0x19: {  	s11 =	simm.s32 $0x5900;
	s13 =	simm.s32 $0x8B00;
	s15 =	simm.s32 $0xBD00  }
0x1a: {  	s17 =	simm.s32 $0xEF00;
	s19 =	simm.s32 $0x12100;
	s21 =	simm.s32 $0x15300  }
0x1b: {  	s23 =	simm.s32 $0x18500;
	s25 =	simm.s32 $0x1B700;
	s26 =	simm.s32 $0x1  }
0x1c: {  	[dreg:$0xe] =	wrdreg s6;
	s6 =	sor.u32 s1, s9;
	s31 =	sadd.s32 s30, s29  }
0x1d: {  	s9 =	simm.s32 $0x32;
	s1 =	simm.s32 $0x0;
	[dreg:$0x10] =	wrdreg s31  }
.LBB2_1:
0x1e: {  	[dreg:$0x13] =	wrdreg s1  }
0x1f: {  	s30 =	rddreg [dreg:$0x11];
	s31 =	simm.s32 $0x0  }
.LBB2_2:
0x20: {  	s0 =	sshll.u32 s31, $0x7  }
0x21: {  	s0 =	sadd.s32 s6, s0  }
0x22: {  	s1 =	rddreg [dreg:$0x1];
	s0 =	sshll.u32 s0, $0x4  }
0x23: {  	s2 =	simm.s32 $0x0;
	s0 =	sadd.s32 s1, s0  }
0x24: {  	[tilespmem:s2], [sflag:$0x3] =	stream.linear.gather [hbm4b:s0+s2], $0x4000, $0x38;
	[tilespmem:$0x1D000] =	vst v63  }
0x25: {  	_ =	swait.ge [sflag:s8], $0x4000  }
0x26: {  	[sflag:s8] =	ssyncset.done $0x0  }
0x27: {  	s5 =	simm.s32 $0x0;
	[sflag:s8] =	ssyncadd.s32 $0xFFFFC000  }
0x28: {  	[tilespmem:s10], [sflag:$0x1] =	stream.indirect.gather [hbm4b:s4+s9], $0x80, s5, s9, $0xb8;
	[tilespmem:$0x1D000] =	vst v63  }
0x29: {  	s7 =	simm.s32 $0x80  }
0x2a: {  	[tilespmem:s11], [sflag:$0x1] =	stream.indirect.gather [hbm4b:s4+s9], $0x80, s7, s9, $0xb8;
	[tilespmem:$0x1D000] =	vst v63  }
0x2b: {  	s29 =	simm.s32 $0x100  }
0x2c: {  	[tilespmem:s12], [sflag:$0x1] =	stream.indirect.gather [hbm4b:s4+s9], $0x80, s29, s9, $0xb8;
	[tilespmem:$0x1D000] =	vst v63  }
0x2d: {  	s1 =	simm.s32 $0x180  }
0x2e: {  	[tilespmem:s13], [sflag:$0x1] =	stream.indirect.gather [hbm4b:s4+s9], $0x80, s1, s9, $0xb8;
	[tilespmem:$0x1D000] =	vst v63  }
0x2f: {  	s2 =	simm.s32 $0x200  }
0x30: {  	[tilespmem:s14], [sflag:$0x1] =	stream.indirect.gather [hbm4b:s4+s9], $0x80, s2, s9, $0xb8;
	[tilespmem:$0x1D000] =	vst v63  }
0x31: {  	s5 =	simm.s32 $0x280  }
0x32: {  	[tilespmem:s15], [sflag:$0x1] =	stream.indirect.gather [hbm4b:s4+s9], $0x80, s5, s9, $0xb8;
	[tilespmem:$0x1D000] =	vst v63  }
0x33: {  	s7 =	simm.s32 $0x300  }
0x34: {  	[tilespmem:s16], [sflag:$0x1] =	stream.indirect.gather [hbm4b:s4+s9], $0x80, s7, s9, $0xb8;
	[tilespmem:$0x1D000] =	vst v63  }
0x35: {  	s29 =	simm.s32 $0x380  }
0x36: {  	[tilespmem:s17], [sflag:$0x1] =	stream.indirect.gather [hbm4b:s4+s9], $0x80, s29, s9, $0xb8;
	[tilespmem:$0x1D000] =	vst v63  }
0x37: {  	s1 =	simm.s32 $0x400  }
0x38: {  	[tilespmem:s18], [sflag:$0x1] =	stream.indirect.gather [hbm4b:s4+s9], $0x80, s1, s9, $0xb8;
	[tilespmem:$0x1D000] =	vst v63  }
0x39: {  	s2 =	simm.s32 $0x480  }
0x3a: {  	[tilespmem:s19], [sflag:$0x1] =	stream.indirect.gather [hbm4b:s4+s9], $0x80, s2, s9, $0xb8;
	[tilespmem:$0x1D000] =	vst v63  }
0x3b: {  	s5 =	simm.s32 $0x500  }
0x3c: {  	[tilespmem:s20], [sflag:$0x1] =	stream.indirect.gather [hbm4b:s4+s9], $0x80, s5, s9, $0xb8;
	[tilespmem:$0x1D000] =	vst v63  }
0x3d: {  	s7 =	simm.s32 $0x580  }
0x3e: {  	[tilespmem:s21], [sflag:$0x1] =	stream.indirect.gather [hbm4b:s4+s9], $0x80, s7, s9, $0xb8;
	[tilespmem:$0x1D000] =	vst v63  }
0x3f: {  	s29 =	simm.s32 $0x600  }
0x40: {  	[tilespmem:s22], [sflag:$0x1] =	stream.indirect.gather [hbm4b:s4+s9], $0x80, s29, s9, $0xb8;
	[tilespmem:$0x1D000] =	vst v63  }
0x41: {  	s1 =	simm.s32 $0x680  }
0x42: {  	[tilespmem:s23], [sflag:$0x1] =	stream.indirect.gather [hbm4b:s4+s9], $0x80, s1, s9, $0xb8;
	[tilespmem:$0x1D000] =	vst v63  }
0x43: {  	s2 =	simm.s32 $0x700  }
0x44: {  	[tilespmem:s24], [sflag:$0x1] =	stream.indirect.gather [hbm4b:s4+s9], $0x80, s2, s9, $0xb8;
	[tilespmem:$0x1D000] =	vst v63  }
0x45: {  	s5 =	simm.s32 $0x780  }
0x46: {  	[tilespmem:s25], [sflag:$0x1] =	stream.indirect.gather [hbm4b:s4+s9], $0x80, s5, s9, $0xb8;
	[tilespmem:$0x1D000] =	vst v63  }
0x47: {  	_ =	swait.ge [sflag:s26], $0x1900  }
0x48: {  	[sflag:s26] =	ssyncset.done $0x0  }
0x49: {  	[sflag:s26] =	ssyncadd.s32 $0xFFFFE700  }
0x4a: {  	_ =	swait.ge [sflag:s26], $0x1900  }
0x4b: {  	[sflag:s26] =	ssyncset.done $0x0  }
0x4c: {  	[sflag:s26] =	ssyncadd.s32 $0xFFFFE700  }
0x4d: {  	_ =	swait.ge [sflag:s26], $0x1900  }
0x4e: {  	[sflag:s26] =	ssyncset.done $0x0  }
0x4f: {  	[sflag:s26] =	ssyncadd.s32 $0xFFFFE700  }
0x50: {  	_ =	swait.ge [sflag:s26], $0x1900  }
0x51: {  	[sflag:s26] =	ssyncset.done $0x0  }
0x52: {  	[sflag:s26] =	ssyncadd.s32 $0xFFFFE700  }
0x53: {  	_ =	swait.ge [sflag:s26], $0x1900  }
0x54: {  	[sflag:s26] =	ssyncset.done $0x0  }
0x55: {  	[sflag:s26] =	ssyncadd.s32 $0xFFFFE700  }
0x56: {  	_ =	swait.ge [sflag:s26], $0x1900  }
0x57: {  	[sflag:s26] =	ssyncset.done $0x0  }
0x58: {  	[sflag:s26] =	ssyncadd.s32 $0xFFFFE700  }
0x59: {  	_ =	swait.ge [sflag:s26], $0x1900  }
0x5a: {  	[sflag:s26] =	ssyncset.done $0x0  }
0x5b: {  	[sflag:s26] =	ssyncadd.s32 $0xFFFFE700  }
0x5c: {  	_ =	swait.ge [sflag:s26], $0x1900  }
0x5d: {  	s7 =	rddreg [dreg:$0x10];
	[sflag:s26] =	ssyncset.done $0x0  }
0x5e: {  	[sflag:s26] =	ssyncadd.s32 $0xFFFFE700;
	s0 =	sadd.s32 s30, s7  }
0x5f: {  	[hbm4b:s0+s3] =	stream.linear.scatter [tilespmem:s10], [sflag:$0x2], $0x1900, $0x38;
	[tilespmem:$0x1D000] =	vst v63  }
0x60: {  	s29 =	sadd.s32 $0x380, s0  }
0x61: {  	[hbm4b:s29+s3] =	stream.linear.scatter [tilespmem:s11], [sflag:$0x2], $0x1900, $0x38;
	[tilespmem:$0x1D000] =	vst v63  }
0x62: {  	s5 =	rddreg [dreg:$0xf];
	s0 =	sadd.s32 $0x700, s0  }
0x63: {  	[hbm4b:s0+s3] =	stream.linear.scatter [tilespmem:s12], [sflag:$0x2], $0x1900, $0x38;
	[tilespmem:$0x1D000] =	vst v63  }
0x64: {  	s2 =	rddreg [dreg:$0xe];
	s7 =	sadd.s32 s30, s5  }
0x65: {  	[hbm4b:s7+s3] =	stream.linear.scatter [tilespmem:s13], [sflag:$0x2], $0x1900, $0x38;
	[tilespmem:$0x1D000] =	vst v63  }
0x66: {  	s1 =	sadd.s32 s30, s2;
	s29 =	rddreg [dreg:$0xd]  }
0x67: {  	[hbm4b:s1+s3] =	stream.linear.scatter [tilespmem:s14], [sflag:$0x2], $0x1900, $0x38;
	[tilespmem:$0x1D000] =	vst v63  }
0x68: {  	s2 =	rddreg [dreg:$0xc];
	s7 =	sadd.s32 s30, s29  }
0x69: {  	[hbm4b:s7+s3] =	stream.linear.scatter [tilespmem:s15], [sflag:$0x2], $0x1900, $0x38;
	[tilespmem:$0x1D000] =	vst v63  }
0x6a: {  	s29 =	rddreg [dreg:$0xb];
	s1 =	sadd.s32 s30, s2  }
0x6b: {  	[hbm4b:s1+s3] =	stream.linear.scatter [tilespmem:s16], [sflag:$0x2], $0x1900, $0x38;
	[tilespmem:$0x1D000] =	vst v63  }
0x6c: {  	s2 =	sadd.s32 s30, s29  }
0x6d: {  	[hbm4b:s2+s3] =	stream.linear.scatter [tilespmem:s17], [sflag:$0x2], $0x1900, $0x38;
	[tilespmem:$0x1D000] =	vst v63  }
0x6e: {  	_ =	swait.ge [sflag:s26], $0x1900  }
0x6f: {  	[sflag:s26] =	ssyncset.done $0x0  }
0x70: {  	[sflag:s26] =	ssyncadd.s32 $0xFFFFE700  }
0x71: {  	_ =	swait.ge [sflag:s26], $0x1900  }
0x72: {  	[sflag:s26] =	ssyncset.done $0x0  }
0x73: {  	[sflag:s26] =	ssyncadd.s32 $0xFFFFE700  }
0x74: {  	_ =	swait.ge [sflag:s26], $0x1900  }
0x75: {  	[sflag:s26] =	ssyncset.done $0x0  }
0x76: {  	[sflag:s26] =	ssyncadd.s32 $0xFFFFE700  }
0x77: {  	_ =	swait.ge [sflag:s26], $0x1900  }
0x78: {  	[sflag:s26] =	ssyncset.done $0x0  }
0x79: {  	[sflag:s26] =	ssyncadd.s32 $0xFFFFE700  }
0x7a: {  	_ =	swait.ge [sflag:s26], $0x1900  }
0x7b: {  	[sflag:s26] =	ssyncset.done $0x0  }
0x7c: {  	[sflag:s26] =	ssyncadd.s32 $0xFFFFE700  }
0x7d: {  	_ =	swait.ge [sflag:s26], $0x1900  }
0x7e: {  	[sflag:s26] =	ssyncset.done $0x0  }
0x7f: {  	[sflag:s26] =	ssyncadd.s32 $0xFFFFE700  }
0x80: {  	_ =	swait.ge [sflag:s26], $0x1900  }
0x81: {  	[sflag:s26] =	ssyncset.done $0x0  }
0x82: {  	[sflag:s26] =	ssyncadd.s32 $0xFFFFE700  }
0x83: {  	_ =	swait.ge [sflag:s26], $0x1900  }
0x84: {  	s5 =	rddreg [dreg:$0xa];
	[sflag:s26] =	ssyncset.done $0x0  }
0x85: {  	s7 =	rddreg [dreg:$0x9];
	[sflag:s26] =	ssyncadd.s32 $0xFFFFE700;
	s0 =	sadd.s32 s30, s5  }
0x86: {  	[hbm4b:s0+s3] =	stream.linear.scatter [tilespmem:s18], [sflag:$0x2], $0x1900, $0x38;
	[tilespmem:$0x1D000] =	vst v63  }
0x87: {  	s29 =	rddreg [dreg:$0x8];
	s1 =	sadd.s32 s30, s7  }
0x88: {  	[hbm4b:s1+s3] =	stream.linear.scatter [tilespmem:s19], [sflag:$0x2], $0x1900, $0x38;
	[tilespmem:$0x1D000] =	vst v63  }
0x89: {  	s2 =	rddreg [dreg:$0x7];
	s7 =	sadd.s32 s30, s29  }
0x8a: {  	[hbm4b:s7+s3] =	stream.linear.scatter [tilespmem:s20], [sflag:$0x2], $0x1900, $0x38;
	[tilespmem:$0x1D000] =	vst v63  }
0x8b: {  	s29 =	rddreg [dreg:$0x6];
	s1 =	sadd.s32 s30, s2  }
0x8c: {  	[hbm4b:s1+s3] =	stream.linear.scatter [tilespmem:s21], [sflag:$0x2], $0x1900, $0x38;
	[tilespmem:$0x1D000] =	vst v63  }
0x8d: {  	s2 =	rddreg [dreg:$0x5];
	s7 =	sadd.s32 s30, s29  }
0x8e: {  	[hbm4b:s7+s3] =	stream.linear.scatter [tilespmem:s22], [sflag:$0x2], $0x1900, $0x38;
	[tilespmem:$0x1D000] =	vst v63  }
0x8f: {  	s29 =	rddreg [dreg:$0x4];
	s1 =	sadd.s32 s30, s2  }
0x90: {  	[hbm4b:s1+s3] =	stream.linear.scatter [tilespmem:s23], [sflag:$0x2], $0x1900, $0x38;
	[tilespmem:$0x1D000] =	vst v63  }
0x91: {  	s2 =	rddreg [dreg:$0x3];
	s7 =	sadd.s32 s30, s29  }
0x92: {  	[hbm4b:s7+s3] =	stream.linear.scatter [tilespmem:s24], [sflag:$0x2], $0x1900, $0x38;
	[tilespmem:$0x1D000] =	vst v63  }
0x93: {  	s29 =	sadd.s32 s30, s2  }
0x94: {  	[hbm4b:s29+s3] =	stream.linear.scatter [tilespmem:s25], [sflag:$0x2], $0x1900, $0x38;
	[tilespmem:$0x1D000] =	vst v63  }
0x95: {  	_ =	swait.ge [sflag:s28], $0x1900  }
0x96: {  	[sflag:s28] =	ssyncset.done $0x0  }
0x97: {  	[sflag:s28] =	ssyncadd.s32 $0xFFFFE700  }
0x98: {  	_ =	swait.ge [sflag:s28], $0x1900  }
0x99: {  	[sflag:s28] =	ssyncset.done $0x0  }
0x9a: {  	[sflag:s28] =	ssyncadd.s32 $0xFFFFE700  }
0x9b: {  	_ =	swait.ge [sflag:s28], $0x1900  }
0x9c: {  	[sflag:s28] =	ssyncset.done $0x0  }
0x9d: {  	[sflag:s28] =	ssyncadd.s32 $0xFFFFE700  }
0x9e: {  	_ =	swait.ge [sflag:s28], $0x1900  }
0x9f: {  	[sflag:s28] =	ssyncset.done $0x0  }
0xa0: {  	[sflag:s28] =	ssyncadd.s32 $0xFFFFE700  }
0xa1: {  	_ =	swait.ge [sflag:s28], $0x1900  }
0xa2: {  	[sflag:s28] =	ssyncset.done $0x0  }
0xa3: {  	[sflag:s28] =	ssyncadd.s32 $0xFFFFE700  }
0xa4: {  	_ =	swait.ge [sflag:s28], $0x1900  }
0xa5: {  	[sflag:s28] =	ssyncset.done $0x0  }
0xa6: {  	[sflag:s28] =	ssyncadd.s32 $0xFFFFE700  }
0xa7: {  	_ =	swait.ge [sflag:s28], $0x1900  }
0xa8: {  	[sflag:s28] =	ssyncset.done $0x0  }
0xa9: {  	[sflag:s28] =	ssyncadd.s32 $0xFFFFE700  }
0xaa: {  	_ =	swait.ge [sflag:s28], $0x1900  }
0xab: {  	[sflag:s28] =	ssyncset.done $0x0  }
0xac: {  	[sflag:s28] =	ssyncadd.s32 $0xFFFFE700  }
0xad: {  	_ =	swait.ge [sflag:s28], $0x1900  }
0xae: {  	[sflag:s28] =	ssyncset.done $0x0  }
0xaf: {  	[sflag:s28] =	ssyncadd.s32 $0xFFFFE700  }
0xb0: {  	_ =	swait.ge [sflag:s28], $0x1900  }
0xb1: {  	[sflag:s28] =	ssyncset.done $0x0  }
0xb2: {  	[sflag:s28] =	ssyncadd.s32 $0xFFFFE700  }
0xb3: {  	_ =	swait.ge [sflag:s28], $0x1900  }
0xb4: {  	[sflag:s28] =	ssyncset.done $0x0  }
0xb5: {  	[sflag:s28] =	ssyncadd.s32 $0xFFFFE700  }
0xb6: {  	_ =	swait.ge [sflag:s28], $0x1900  }
0xb7: {  	[sflag:s28] =	ssyncset.done $0x0  }
0xb8: {  	[sflag:s28] =	ssyncadd.s32 $0xFFFFE700  }
0xb9: {  	_ =	swait.ge [sflag:s28], $0x1900  }
0xba: {  	[sflag:s28] =	ssyncset.done $0x0  }
0xbb: {  	[sflag:s28] =	ssyncadd.s32 $0xFFFFE700  }
0xbc: {  	_ =	swait.ge [sflag:s28], $0x1900  }
0xbd: {  	[sflag:s28] =	ssyncset.done $0x0  }
0xbe: {  	[sflag:s28] =	ssyncadd.s32 $0xFFFFE700  }
0xbf: {  	_ =	swait.ge [sflag:s28], $0x1900  }
0xc0: {  	[sflag:s28] =	ssyncset.done $0x0  }
0xc1: {  	[sflag:s28] =	ssyncadd.s32 $0xFFFFE700  }
0xc2: {  	s5 =	simm.s32 $0x4000;
	_ =	swait.ge [sflag:s28], $0x1900  }
0xc3: {  	s0 =	simm.s32 $0x2000;
	s1 =	sadd.s32 $0x3800, s30;
	[sflag:s28] =	ssyncset.done $0x0  }
.LBB2_3:
0xc4: {  	s7 =	sshra.s32 s0, $0x2;
	[sflag:s28] =	ssyncadd.s32 $0xFFFFE700  }
0xc5: {  	[tilespmem:s10], [sflag:$0x1] =	stream.indirect.gather [hbm4b:s4+s9], $0x80, s7, s9, $0xb8;
	[tilespmem:$0x1D000] =	vst v63  }
0xc6: {  	s2 =	sadd.s32 $0x80, s7  }
0xc7: {  	[tilespmem:s11], [sflag:$0x1] =	stream.indirect.gather [hbm4b:s4+s9], $0x80, s2, s9, $0xb8;
	[tilespmem:$0x1D000] =	vst v63  }
0xc8: {  	s2 =	sadd.s32 $0x100, s7  }
0xc9: {  	[tilespmem:s12], [sflag:$0x1] =	stream.indirect.gather [hbm4b:s4+s9], $0x80, s2, s9, $0xb8;
	[tilespmem:$0x1D000] =	vst v63  }
0xca: {  	s2 =	sadd.s32 $0x180, s7  }
0xcb: {  	[tilespmem:s13], [sflag:$0x1] =	stream.indirect.gather [hbm4b:s4+s9], $0x80, s2, s9, $0xb8;
	[tilespmem:$0x1D000] =	vst v63  }
0xcc: {  	s2 =	sadd.s32 $0x200, s7  }
0xcd: {  	[tilespmem:s14], [sflag:$0x1] =	stream.indirect.gather [hbm4b:s4+s9], $0x80, s2, s9, $0xb8;
	[tilespmem:$0x1D000] =	vst v63  }
0xce: {  	s2 =	sadd.s32 $0x280, s7  }
0xcf: {  	[tilespmem:s15], [sflag:$0x1] =	stream.indirect.gather [hbm4b:s4+s9], $0x80, s2, s9, $0xb8;
	[tilespmem:$0x1D000] =	vst v63  }
0xd0: {  	s2 =	sadd.s32 $0x300, s7  }
0xd1: {  	[tilespmem:s16], [sflag:$0x1] =	stream.indirect.gather [hbm4b:s4+s9], $0x80, s2, s9, $0xb8;
	[tilespmem:$0x1D000] =	vst v63  }
0xd2: {  	s2 =	sadd.s32 $0x380, s7  }
0xd3: {  	[tilespmem:s17], [sflag:$0x1] =	stream.indirect.gather [hbm4b:s4+s9], $0x80, s2, s9, $0xb8;
	[tilespmem:$0x1D000] =	vst v63  }
0xd4: {  	s2 =	sadd.s32 $0x400, s7  }
0xd5: {  	[tilespmem:s18], [sflag:$0x1] =	stream.indirect.gather [hbm4b:s4+s9], $0x80, s2, s9, $0xb8;
	[tilespmem:$0x1D000] =	vst v63  }
0xd6: {  	s2 =	sadd.s32 $0x480, s7  }
0xd7: {  	[tilespmem:s19], [sflag:$0x1] =	stream.indirect.gather [hbm4b:s4+s9], $0x80, s2, s9, $0xb8;
	[tilespmem:$0x1D000] =	vst v63  }
0xd8: {  	s2 =	sadd.s32 $0x500, s7  }
0xd9: {  	[tilespmem:s20], [sflag:$0x1] =	stream.indirect.gather [hbm4b:s4+s9], $0x80, s2, s9, $0xb8;
	[tilespmem:$0x1D000] =	vst v63  }
0xda: {  	s2 =	sadd.s32 $0x580, s7  }
0xdb: {  	[tilespmem:s21], [sflag:$0x1] =	stream.indirect.gather [hbm4b:s4+s9], $0x80, s2, s9, $0xb8;
	[tilespmem:$0x1D000] =	vst v63  }
0xdc: {  	s2 =	sadd.s32 $0x600, s7  }
0xdd: {  	[tilespmem:s22], [sflag:$0x1] =	stream.indirect.gather [hbm4b:s4+s9], $0x80, s2, s9, $0xb8;
	[tilespmem:$0x1D000] =	vst v63  }
0xde: {  	s2 =	sadd.s32 $0x680, s7  }
0xdf: {  	[tilespmem:s23], [sflag:$0x1] =	stream.indirect.gather [hbm4b:s4+s9], $0x80, s2, s9, $0xb8;
	[tilespmem:$0x1D000] =	vst v63  }
0xe0: {  	s2 =	sadd.s32 $0x700, s7  }
0xe1: {  	[tilespmem:s24], [sflag:$0x1] =	stream.indirect.gather [hbm4b:s4+s9], $0x80, s2, s9, $0xb8;
	[tilespmem:$0x1D000] =	vst v63  }
0xe2: {  	s7 =	sadd.s32 $0x780, s7  }
0xe3: {  	[tilespmem:s25], [sflag:$0x1] =	stream.indirect.gather [hbm4b:s4+s9], $0x80, s7, s9, $0xb8;
	[tilespmem:$0x1D000] =	vst v63  }
0xe4: {  	_ =	swait.ge [sflag:s26], $0x1900  }
0xe5: {  	[sflag:s26] =	ssyncset.done $0x0  }
0xe6: {  	[sflag:s26] =	ssyncadd.s32 $0xFFFFE700  }
0xe7: {  	_ =	swait.ge [sflag:s26], $0x1900  }
0xe8: {  	[sflag:s26] =	ssyncset.done $0x0  }
0xe9: {  	[sflag:s26] =	ssyncadd.s32 $0xFFFFE700  }
0xea: {  	_ =	swait.ge [sflag:s26], $0x1900  }
0xeb: {  	[sflag:s26] =	ssyncset.done $0x0  }
0xec: {  	[sflag:s26] =	ssyncadd.s32 $0xFFFFE700  }
0xed: {  	_ =	swait.ge [sflag:s26], $0x1900  }
0xee: {  	[sflag:s26] =	ssyncset.done $0x0  }
0xef: {  	[sflag:s26] =	ssyncadd.s32 $0xFFFFE700  }
0xf0: {  	_ =	swait.ge [sflag:s26], $0x1900  }
0xf1: {  	[sflag:s26] =	ssyncset.done $0x0  }
0xf2: {  	[sflag:s26] =	ssyncadd.s32 $0xFFFFE700  }
0xf3: {  	_ =	swait.ge [sflag:s26], $0x1900  }
0xf4: {  	[sflag:s26] =	ssyncset.done $0x0  }
0xf5: {  	[sflag:s26] =	ssyncadd.s32 $0xFFFFE700  }
0xf6: {  	_ =	swait.ge [sflag:s26], $0x1900  }
0xf7: {  	[sflag:s26] =	ssyncset.done $0x0  }
0xf8: {  	[sflag:s26] =	ssyncadd.s32 $0xFFFFE700  }
0xf9: {  	s0 =	smov.u32 s5;
	_ =	swait.ge [sflag:s26], $0x1900  }
0xfa: {  	s29 =	sadd.s32 $0x2000, s5;
	s2 =	rddreg [dreg:$0x10];
	[sflag:s26] =	ssyncset.done $0x0  }
0xfb: {  	p0 =	sne.s32 s5, $0xE000;
	[sflag:s26] =	ssyncadd.s32 $0xFFFFE700;
	s5 =	sadd.s32 s1, s2  }
0xfc: {  	[hbm4b:s5+s3] =	stream.linear.scatter [tilespmem:s10], [sflag:$0x2], $0x1900, $0x38;
	[tilespmem:$0x1D000] =	vst v63  }
0xfd: {  	s7 =	sadd.s32 $0x380, s5  }
0xfe: {  	[hbm4b:s7+s3] =	stream.linear.scatter [tilespmem:s11], [sflag:$0x2], $0x1900, $0x38;
	[tilespmem:$0x1D000] =	vst v63  }
0xff: {  	s2 =	rddreg [dreg:$0xf];
	s5 =	sadd.s32 $0x700, s5  }
0x100: {  	[hbm4b:s5+s3] =	stream.linear.scatter [tilespmem:s12], [sflag:$0x2], $0x1900, $0x38;
	[tilespmem:$0x1D000] =	vst v63  }
0x101: {  	s2 =	sadd.s32 s1, s2;
	s7 =	rddreg [dreg:$0xe]  }
0x102: {  	[hbm4b:s2+s3] =	stream.linear.scatter [tilespmem:s13], [sflag:$0x2], $0x1900, $0x38;
	[tilespmem:$0x1D000] =	vst v63  }
0x103: {  	s5 =	rddreg [dreg:$0xd];
	s2 =	sadd.s32 s1, s7  }
0x104: {  	[hbm4b:s2+s3] =	stream.linear.scatter [tilespmem:s14], [sflag:$0x2], $0x1900, $0x38;
	[tilespmem:$0x1D000] =	vst v63  }
0x105: {  	s7 =	rddreg [dreg:$0xc];
	s2 =	sadd.s32 s1, s5  }
0x106: {  	[hbm4b:s2+s3] =	stream.linear.scatter [tilespmem:s15], [sflag:$0x2], $0x1900, $0x38;
	[tilespmem:$0x1D000] =	vst v63  }
0x107: {  	s7 =	sadd.s32 s1, s7;
	s5 =	rddreg [dreg:$0xb]  }
0x108: {  	[hbm4b:s7+s3] =	stream.linear.scatter [tilespmem:s16], [sflag:$0x2], $0x1900, $0x38;
	[tilespmem:$0x1D000] =	vst v63  }
0x109: {  	s5 =	sadd.s32 s1, s5  }
0x10a: {  	[hbm4b:s5+s3] =	stream.linear.scatter [tilespmem:s17], [sflag:$0x2], $0x1900, $0x38;
	[tilespmem:$0x1D000] =	vst v63  }
0x10b: {  	_ =	swait.ge [sflag:s26], $0x1900  }
0x10c: {  	[sflag:s26] =	ssyncset.done $0x0  }
0x10d: {  	[sflag:s26] =	ssyncadd.s32 $0xFFFFE700  }
0x10e: {  	_ =	swait.ge [sflag:s26], $0x1900  }
0x10f: {  	[sflag:s26] =	ssyncset.done $0x0  }
0x110: {  	[sflag:s26] =	ssyncadd.s32 $0xFFFFE700  }
0x111: {  	_ =	swait.ge [sflag:s26], $0x1900  }
0x112: {  	[sflag:s26] =	ssyncset.done $0x0  }
0x113: {  	[sflag:s26] =	ssyncadd.s32 $0xFFFFE700  }
0x114: {  	_ =	swait.ge [sflag:s26], $0x1900  }
0x115: {  	[sflag:s26] =	ssyncset.done $0x0  }
0x116: {  	[sflag:s26] =	ssyncadd.s32 $0xFFFFE700  }
0x117: {  	_ =	swait.ge [sflag:s26], $0x1900  }
0x118: {  	[sflag:s26] =	ssyncset.done $0x0  }
0x119: {  	[sflag:s26] =	ssyncadd.s32 $0xFFFFE700  }
0x11a: {  	_ =	swait.ge [sflag:s26], $0x1900  }
0x11b: {  	[sflag:s26] =	ssyncset.done $0x0  }
0x11c: {  	[sflag:s26] =	ssyncadd.s32 $0xFFFFE700  }
0x11d: {  	_ =	swait.ge [sflag:s26], $0x1900  }
0x11e: {  	[sflag:s26] =	ssyncset.done $0x0  }
0x11f: {  	[sflag:s26] =	ssyncadd.s32 $0xFFFFE700  }
0x120: {  	_ =	swait.ge [sflag:s26], $0x1900  }
0x121: {  	s7 =	rddreg [dreg:$0xa];
	[sflag:s26] =	ssyncset.done $0x0  }
0x122: {  	s5 =	rddreg [dreg:$0x9];
	[sflag:s26] =	ssyncadd.s32 $0xFFFFE700;
	s2 =	sadd.s32 s1, s7  }
0x123: {  	[hbm4b:s2+s3] =	stream.linear.scatter [tilespmem:s18], [sflag:$0x2], $0x1900, $0x38;
	[tilespmem:$0x1D000] =	vst v63  }
0x124: {  	s7 =	rddreg [dreg:$0x8];
	s2 =	sadd.s32 s1, s5  }
0x125: {  	[hbm4b:s2+s3] =	stream.linear.scatter [tilespmem:s19], [sflag:$0x2], $0x1900, $0x38;
	[tilespmem:$0x1D000] =	vst v63  }
0x126: {  	s5 =	rddreg [dreg:$0x7];
	s2 =	sadd.s32 s1, s7  }
0x127: {  	[hbm4b:s2+s3] =	stream.linear.scatter [tilespmem:s20], [sflag:$0x2], $0x1900, $0x38;
	[tilespmem:$0x1D000] =	vst v63  }
0x128: {  	s7 =	rddreg [dreg:$0x6];
	s2 =	sadd.s32 s1, s5  }
0x129: {  	[hbm4b:s2+s3] =	stream.linear.scatter [tilespmem:s21], [sflag:$0x2], $0x1900, $0x38;
	[tilespmem:$0x1D000] =	vst v63  }
0x12a: {  	s5 =	rddreg [dreg:$0x5];
	s2 =	sadd.s32 s1, s7  }
0x12b: {  	[hbm4b:s2+s3] =	stream.linear.scatter [tilespmem:s22], [sflag:$0x2], $0x1900, $0x38;
	[tilespmem:$0x1D000] =	vst v63  }
0x12c: {  	s7 =	rddreg [dreg:$0x4];
	s2 =	sadd.s32 s1, s5  }
0x12d: {  	[hbm4b:s2+s3] =	stream.linear.scatter [tilespmem:s23], [sflag:$0x2], $0x1900, $0x38;
	[tilespmem:$0x1D000] =	vst v63  }
0x12e: {  	s7 =	sadd.s32 s1, s7;
	s5 =	rddreg [dreg:$0x3]  }
0x12f: {  	[hbm4b:s7+s3] =	stream.linear.scatter [tilespmem:s24], [sflag:$0x2], $0x1900, $0x38;
	[tilespmem:$0x1D000] =	vst v63  }
0x130: {  	s7 =	sadd.s32 s1, s5  }
0x131: {  	[hbm4b:s7+s3] =	stream.linear.scatter [tilespmem:s25], [sflag:$0x2], $0x1900, $0x38;
	[tilespmem:$0x1D000] =	vst v63  }
0x132: {  	_ =	swait.ge [sflag:s28], $0x1900  }
0x133: {  	[sflag:s28] =	ssyncset.done $0x0  }
0x134: {  	[sflag:s28] =	ssyncadd.s32 $0xFFFFE700  }
0x135: {  	_ =	swait.ge [sflag:s28], $0x1900  }
0x136: {  	[sflag:s28] =	ssyncset.done $0x0  }
0x137: {  	[sflag:s28] =	ssyncadd.s32 $0xFFFFE700  }
0x138: {  	_ =	swait.ge [sflag:s28], $0x1900  }
0x139: {  	[sflag:s28] =	ssyncset.done $0x0  }
0x13a: {  	[sflag:s28] =	ssyncadd.s32 $0xFFFFE700  }
0x13b: {  	_ =	swait.ge [sflag:s28], $0x1900  }
0x13c: {  	[sflag:s28] =	ssyncset.done $0x0  }
0x13d: {  	[sflag:s28] =	ssyncadd.s32 $0xFFFFE700  }
0x13e: {  	_ =	swait.ge [sflag:s28], $0x1900  }
0x13f: {  	[sflag:s28] =	ssyncset.done $0x0  }
0x140: {  	[sflag:s28] =	ssyncadd.s32 $0xFFFFE700  }
0x141: {  	_ =	swait.ge [sflag:s28], $0x1900  }
0x142: {  	[sflag:s28] =	ssyncset.done $0x0  }
0x143: {  	[sflag:s28] =	ssyncadd.s32 $0xFFFFE700  }
0x144: {  	_ =	swait.ge [sflag:s28], $0x1900  }
0x145: {  	[sflag:s28] =	ssyncset.done $0x0  }
0x146: {  	[sflag:s28] =	ssyncadd.s32 $0xFFFFE700  }
0x147: {  	_ =	swait.ge [sflag:s28], $0x1900  }
0x148: {  	[sflag:s28] =	ssyncset.done $0x0  }
0x149: {  	[sflag:s28] =	ssyncadd.s32 $0xFFFFE700  }
0x14a: {  	_ =	swait.ge [sflag:s28], $0x1900  }
0x14b: {  	[sflag:s28] =	ssyncset.done $0x0  }
0x14c: {  	[sflag:s28] =	ssyncadd.s32 $0xFFFFE700  }
0x14d: {  	_ =	swait.ge [sflag:s28], $0x1900  }
0x14e: {  	[sflag:s28] =	ssyncset.done $0x0  }
0x14f: {  	[sflag:s28] =	ssyncadd.s32 $0xFFFFE700  }
0x150: {  	_ =	swait.ge [sflag:s28], $0x1900  }
0x151: {  	[sflag:s28] =	ssyncset.done $0x0  }
0x152: {  	[sflag:s28] =	ssyncadd.s32 $0xFFFFE700  }
0x153: {  	_ =	swait.ge [sflag:s28], $0x1900  }
0x154: {  	[sflag:s28] =	ssyncset.done $0x0  }
0x155: {  	[sflag:s28] =	ssyncadd.s32 $0xFFFFE700  }
0x156: {  	_ =	swait.ge [sflag:s28], $0x1900  }
0x157: {  	[sflag:s28] =	ssyncset.done $0x0  }
0x158: {  	[sflag:s28] =	ssyncadd.s32 $0xFFFFE700  }
0x159: {  	_ =	swait.ge [sflag:s28], $0x1900  }
0x15a: {  	[sflag:s28] =	ssyncset.done $0x0  }
0x15b: {  	[sflag:s28] =	ssyncadd.s32 $0xFFFFE700  }
.Ltmp0:
0x15c: {  	_ =	swait.ge [sflag:s28], $0x1900;
	(pc) =	sbr.rel @p0 .LBB2_3-.Ltmp0, $4  }
0x15d: {  	[sflag:s28] =	ssyncset.done $0x0  }
0x15e: {  	[sflag:s28] =	ssyncadd.s32 $0xFFFFE700  }
0x15f: {  	_ =	swait.ge [sflag:s28], $0x1900  }
0x160: {  	s1 =	sadd.s32 $0x3800, s1;
	s5 =	smov.u32 s29;
	[sflag:s28] =	ssyncset.done $0x0  }
0x161: {  	s0 =	sshra.s32 s0, $0x2;
	[sflag:s28] =	ssyncadd.s32 $0xFFFFE700  }
0x162: {  	[tilespmem:s10], [sflag:$0x1] =	stream.indirect.gather [hbm4b:s4+s9], $0x80, s0, s9, $0xb8;
	[tilespmem:$0x1D000] =	vst v63  }
0x163: {  	s2 =	sadd.s32 $0x80, s0  }
0x164: {  	[tilespmem:s11], [sflag:$0x1] =	stream.indirect.gather [hbm4b:s4+s9], $0x80, s2, s9, $0xb8;
	[tilespmem:$0x1D000] =	vst v63  }
0x165: {  	s29 =	sadd.s32 $0x100, s0  }
0x166: {  	[tilespmem:s12], [sflag:$0x1] =	stream.indirect.gather [hbm4b:s4+s9], $0x80, s29, s9, $0xb8;
	[tilespmem:$0x1D000] =	vst v63  }
0x167: {  	s5 =	sadd.s32 $0x180, s0  }
0x168: {  	[tilespmem:s13], [sflag:$0x1] =	stream.indirect.gather [hbm4b:s4+s9], $0x80, s5, s9, $0xb8;
	[tilespmem:$0x1D000] =	vst v63  }
0x169: {  	s7 =	sadd.s32 $0x200, s0  }
0x16a: {  	[tilespmem:s14], [sflag:$0x1] =	stream.indirect.gather [hbm4b:s4+s9], $0x80, s7, s9, $0xb8;
	[tilespmem:$0x1D000] =	vst v63  }
0x16b: {  	s29 =	sadd.s32 $0x280, s0  }
0x16c: {  	[tilespmem:s15], [sflag:$0x1] =	stream.indirect.gather [hbm4b:s4+s9], $0x80, s29, s9, $0xb8;
	[tilespmem:$0x1D000] =	vst v63  }
0x16d: {  	s5 =	sadd.s32 $0x300, s0  }
0x16e: {  	[tilespmem:s16], [sflag:$0x1] =	stream.indirect.gather [hbm4b:s4+s9], $0x80, s5, s9, $0xb8;
	[tilespmem:$0x1D000] =	vst v63  }
0x16f: {  	s7 =	sadd.s32 $0x380, s0  }
0x170: {  	[tilespmem:s17], [sflag:$0x1] =	stream.indirect.gather [hbm4b:s4+s9], $0x80, s7, s9, $0xb8;
	[tilespmem:$0x1D000] =	vst v63  }
0x171: {  	s29 =	sadd.s32 $0x400, s0  }
0x172: {  	[tilespmem:s18], [sflag:$0x1] =	stream.indirect.gather [hbm4b:s4+s9], $0x80, s29, s9, $0xb8;
	[tilespmem:$0x1D000] =	vst v63  }
0x173: {  	s5 =	sadd.s32 $0x480, s0  }
0x174: {  	[tilespmem:s19], [sflag:$0x1] =	stream.indirect.gather [hbm4b:s4+s9], $0x80, s5, s9, $0xb8;
	[tilespmem:$0x1D000] =	vst v63  }
0x175: {  	s7 =	sadd.s32 $0x500, s0  }
0x176: {  	[tilespmem:s20], [sflag:$0x1] =	stream.indirect.gather [hbm4b:s4+s9], $0x80, s7, s9, $0xb8;
	[tilespmem:$0x1D000] =	vst v63  }
0x177: {  	s29 =	sadd.s32 $0x580, s0  }
0x178: {  	[tilespmem:s21], [sflag:$0x1] =	stream.indirect.gather [hbm4b:s4+s9], $0x80, s29, s9, $0xb8;
	[tilespmem:$0x1D000] =	vst v63  }
0x179: {  	s5 =	sadd.s32 $0x600, s0  }
0x17a: {  	[tilespmem:s22], [sflag:$0x1] =	stream.indirect.gather [hbm4b:s4+s9], $0x80, s5, s9, $0xb8;
	[tilespmem:$0x1D000] =	vst v63  }
0x17b: {  	s7 =	sadd.s32 $0x680, s0  }
0x17c: {  	[tilespmem:s23], [sflag:$0x1] =	stream.indirect.gather [hbm4b:s4+s9], $0x80, s7, s9, $0xb8;
	[tilespmem:$0x1D000] =	vst v63  }
0x17d: {  	s29 =	sadd.s32 $0x700, s0  }
0x17e: {  	[tilespmem:s24], [sflag:$0x1] =	stream.indirect.gather [hbm4b:s4+s9], $0x80, s29, s9, $0xb8;
	[tilespmem:$0x1D000] =	vst v63  }
0x17f: {  	s0 =	sadd.s32 $0x780, s0  }
0x180: {  	[tilespmem:s25], [sflag:$0x1] =	stream.indirect.gather [hbm4b:s4+s9], $0x80, s0, s9, $0xb8;
	[tilespmem:$0x1D000] =	vst v63  }
0x181: {  	_ =	swait.ge [sflag:s26], $0x1900  }
0x182: {  	[sflag:s26] =	ssyncset.done $0x0  }
0x183: {  	[sflag:s26] =	ssyncadd.s32 $0xFFFFE700  }
0x184: {  	_ =	swait.ge [sflag:s26], $0x1900  }
0x185: {  	[sflag:s26] =	ssyncset.done $0x0  }
0x186: {  	[sflag:s26] =	ssyncadd.s32 $0xFFFFE700  }
0x187: {  	_ =	swait.ge [sflag:s26], $0x1900  }
0x188: {  	[sflag:s26] =	ssyncset.done $0x0  }
0x189: {  	[sflag:s26] =	ssyncadd.s32 $0xFFFFE700  }
0x18a: {  	_ =	swait.ge [sflag:s26], $0x1900  }
0x18b: {  	[sflag:s26] =	ssyncset.done $0x0  }
0x18c: {  	[sflag:s26] =	ssyncadd.s32 $0xFFFFE700  }
0x18d: {  	_ =	swait.ge [sflag:s26], $0x1900  }
0x18e: {  	[sflag:s26] =	ssyncset.done $0x0  }
0x18f: {  	[sflag:s26] =	ssyncadd.s32 $0xFFFFE700  }
0x190: {  	_ =	swait.ge [sflag:s26], $0x1900  }
0x191: {  	[sflag:s26] =	ssyncset.done $0x0  }
0x192: {  	[sflag:s26] =	ssyncadd.s32 $0xFFFFE700  }
0x193: {  	_ =	swait.ge [sflag:s26], $0x1900  }
0x194: {  	[sflag:s26] =	ssyncset.done $0x0  }
0x195: {  	[sflag:s26] =	ssyncadd.s32 $0xFFFFE700  }
0x196: {  	_ =	swait.ge [sflag:s26], $0x1900  }
0x197: {  	s2 =	rddreg [dreg:$0x10];
	[sflag:s26] =	ssyncset.done $0x0  }
0x198: {  	[sflag:s26] =	ssyncadd.s32 $0xFFFFE700;
	s0 =	sadd.s32 s1, s2  }
0x199: {  	[hbm4b:s0+s3] =	stream.linear.scatter [tilespmem:s10], [sflag:$0x2], $0x1900, $0x38;
	[tilespmem:$0x1D000] =	vst v63  }
0x19a: {  	s5 =	sadd.s32 $0x380, s0  }
0x19b: {  	[hbm4b:s5+s3] =	stream.linear.scatter [tilespmem:s11], [sflag:$0x2], $0x1900, $0x38;
	[tilespmem:$0x1D000] =	vst v63  }
0x19c: {  	s7 =	rddreg [dreg:$0xf];
	s0 =	sadd.s32 $0x700, s0  }
0x19d: {  	[hbm4b:s0+s3] =	stream.linear.scatter [tilespmem:s12], [sflag:$0x2], $0x1900, $0x38;
	[tilespmem:$0x1D000] =	vst v63  }
0x19e: {  	s29 =	rddreg [dreg:$0xe];
	s2 =	sadd.s32 s1, s7  }
0x19f: {  	[hbm4b:s2+s3] =	stream.linear.scatter [tilespmem:s13], [sflag:$0x2], $0x1900, $0x38;
	[tilespmem:$0x1D000] =	vst v63  }
0x1a0: {  	s5 =	rddreg [dreg:$0xd];
	s0 =	sadd.s32 s1, s29  }
0x1a1: {  	[hbm4b:s0+s3] =	stream.linear.scatter [tilespmem:s14], [sflag:$0x2], $0x1900, $0x38;
	[tilespmem:$0x1D000] =	vst v63  }
0x1a2: {  	s7 =	rddreg [dreg:$0xc];
	s2 =	sadd.s32 s1, s5  }
0x1a3: {  	[hbm4b:s2+s3] =	stream.linear.scatter [tilespmem:s15], [sflag:$0x2], $0x1900, $0x38;
	[tilespmem:$0x1D000] =	vst v63  }
0x1a4: {  	s29 =	rddreg [dreg:$0xb];
	s0 =	sadd.s32 s1, s7  }
0x1a5: {  	[hbm4b:s0+s3] =	stream.linear.scatter [tilespmem:s16], [sflag:$0x2], $0x1900, $0x38;
	[tilespmem:$0x1D000] =	vst v63  }
0x1a6: {  	s2 =	sadd.s32 s1, s29  }
0x1a7: {  	[hbm4b:s2+s3] =	stream.linear.scatter [tilespmem:s17], [sflag:$0x2], $0x1900, $0x38;
	[tilespmem:$0x1D000] =	vst v63  }
0x1a8: {  	_ =	swait.ge [sflag:s26], $0x1900  }
0x1a9: {  	[sflag:s26] =	ssyncset.done $0x0  }
0x1aa: {  	[sflag:s26] =	ssyncadd.s32 $0xFFFFE700  }
0x1ab: {  	_ =	swait.ge [sflag:s26], $0x1900  }
0x1ac: {  	[sflag:s26] =	ssyncset.done $0x0  }
0x1ad: {  	[sflag:s26] =	ssyncadd.s32 $0xFFFFE700  }
0x1ae: {  	_ =	swait.ge [sflag:s26], $0x1900  }
0x1af: {  	[sflag:s26] =	ssyncset.done $0x0  }
0x1b0: {  	[sflag:s26] =	ssyncadd.s32 $0xFFFFE700  }
0x1b1: {  	_ =	swait.ge [sflag:s26], $0x1900  }
0x1b2: {  	[sflag:s26] =	ssyncset.done $0x0  }
0x1b3: {  	[sflag:s26] =	ssyncadd.s32 $0xFFFFE700  }
0x1b4: {  	_ =	swait.ge [sflag:s26], $0x1900  }
0x1b5: {  	[sflag:s26] =	ssyncset.done $0x0  }
0x1b6: {  	[sflag:s26] =	ssyncadd.s32 $0xFFFFE700  }
0x1b7: {  	_ =	swait.ge [sflag:s26], $0x1900  }
0x1b8: {  	[sflag:s26] =	ssyncset.done $0x0  }
0x1b9: {  	[sflag:s26] =	ssyncadd.s32 $0xFFFFE700  }
0x1ba: {  	_ =	swait.ge [sflag:s26], $0x1900  }
0x1bb: {  	[sflag:s26] =	ssyncset.done $0x0  }
0x1bc: {  	[sflag:s26] =	ssyncadd.s32 $0xFFFFE700  }
0x1bd: {  	_ =	swait.ge [sflag:s26], $0x1900  }
0x1be: {  	s5 =	rddreg [dreg:$0xa];
	[sflag:s26] =	ssyncset.done $0x0  }
0x1bf: {  	s7 =	rddreg [dreg:$0x9];
	[sflag:s26] =	ssyncadd.s32 $0xFFFFE700;
	s0 =	sadd.s32 s1, s5  }
0x1c0: {  	[hbm4b:s0+s3] =	stream.linear.scatter [tilespmem:s18], [sflag:$0x2], $0x1900, $0x38;
	[tilespmem:$0x1D000] =	vst v63  }
0x1c1: {  	s29 =	rddreg [dreg:$0x8];
	s2 =	sadd.s32 s1, s7  }
0x1c2: {  	[hbm4b:s2+s3] =	stream.linear.scatter [tilespmem:s19], [sflag:$0x2], $0x1900, $0x38;
	[tilespmem:$0x1D000] =	vst v63  }
0x1c3: {  	s5 =	rddreg [dreg:$0x7];
	s0 =	sadd.s32 s1, s29  }
0x1c4: {  	[hbm4b:s0+s3] =	stream.linear.scatter [tilespmem:s20], [sflag:$0x2], $0x1900, $0x38;
	[tilespmem:$0x1D000] =	vst v63  }
0x1c5: {  	s7 =	rddreg [dreg:$0x6];
	s2 =	sadd.s32 s1, s5  }
0x1c6: {  	[hbm4b:s2+s3] =	stream.linear.scatter [tilespmem:s21], [sflag:$0x2], $0x1900, $0x38;
	[tilespmem:$0x1D000] =	vst v63  }
0x1c7: {  	s29 =	rddreg [dreg:$0x5];
	s0 =	sadd.s32 s1, s7  }
0x1c8: {  	[hbm4b:s0+s3] =	stream.linear.scatter [tilespmem:s22], [sflag:$0x2], $0x1900, $0x38;
	[tilespmem:$0x1D000] =	vst v63  }
0x1c9: {  	s5 =	rddreg [dreg:$0x4];
	s2 =	sadd.s32 s1, s29  }
0x1ca: {  	[hbm4b:s2+s3] =	stream.linear.scatter [tilespmem:s23], [sflag:$0x2], $0x1900, $0x38;
	[tilespmem:$0x1D000] =	vst v63  }
0x1cb: {  	s7 =	rddreg [dreg:$0x3];
	s0 =	sadd.s32 s1, s5  }
0x1cc: {  	[hbm4b:s0+s3] =	stream.linear.scatter [tilespmem:s24], [sflag:$0x2], $0x1900, $0x38;
	[tilespmem:$0x1D000] =	vst v63  }
0x1cd: {  	s29 =	sadd.s32 s1, s7  }
0x1ce: {  	[hbm4b:s29+s3] =	stream.linear.scatter [tilespmem:s25], [sflag:$0x2], $0x1900, $0x38;
	[tilespmem:$0x1D000] =	vst v63  }
0x1cf: {  	_ =	swait.ge [sflag:s28], $0x1900  }
0x1d0: {  	[sflag:s28] =	ssyncset.done $0x0  }
0x1d1: {  	[sflag:s28] =	ssyncadd.s32 $0xFFFFE700  }
0x1d2: {  	_ =	swait.ge [sflag:s28], $0x1900  }
0x1d3: {  	[sflag:s28] =	ssyncset.done $0x0  }
0x1d4: {  	[sflag:s28] =	ssyncadd.s32 $0xFFFFE700  }
0x1d5: {  	_ =	swait.ge [sflag:s28], $0x1900  }
0x1d6: {  	[sflag:s28] =	ssyncset.done $0x0  }
0x1d7: {  	[sflag:s28] =	ssyncadd.s32 $0xFFFFE700  }
0x1d8: {  	_ =	swait.ge [sflag:s28], $0x1900  }
0x1d9: {  	[sflag:s28] =	ssyncset.done $0x0  }
0x1da: {  	[sflag:s28] =	ssyncadd.s32 $0xFFFFE700  }
0x1db: {  	_ =	swait.ge [sflag:s28], $0x1900  }
0x1dc: {  	[sflag:s28] =	ssyncset.done $0x0  }
0x1dd: {  	[sflag:s28] =	ssyncadd.s32 $0xFFFFE700  }
0x1de: {  	_ =	swait.ge [sflag:s28], $0x1900  }
0x1df: {  	[sflag:s28] =	ssyncset.done $0x0  }
0x1e0: {  	[sflag:s28] =	ssyncadd.s32 $0xFFFFE700  }
0x1e1: {  	_ =	swait.ge [sflag:s28], $0x1900  }
0x1e2: {  	[sflag:s28] =	ssyncset.done $0x0  }
0x1e3: {  	[sflag:s28] =	ssyncadd.s32 $0xFFFFE700  }
0x1e4: {  	_ =	swait.ge [sflag:s28], $0x1900  }
0x1e5: {  	[sflag:s28] =	ssyncset.done $0x0  }
0x1e6: {  	[sflag:s28] =	ssyncadd.s32 $0xFFFFE700  }
0x1e7: {  	_ =	swait.ge [sflag:s28], $0x1900  }
0x1e8: {  	[sflag:s28] =	ssyncset.done $0x0  }
0x1e9: {  	[sflag:s28] =	ssyncadd.s32 $0xFFFFE700  }
0x1ea: {  	_ =	swait.ge [sflag:s28], $0x1900  }
0x1eb: {  	[sflag:s28] =	ssyncset.done $0x0  }
0x1ec: {  	[sflag:s28] =	ssyncadd.s32 $0xFFFFE700  }
0x1ed: {  	_ =	swait.ge [sflag:s28], $0x1900  }
0x1ee: {  	[sflag:s28] =	ssyncset.done $0x0  }
0x1ef: {  	[sflag:s28] =	ssyncadd.s32 $0xFFFFE700  }
0x1f0: {  	_ =	swait.ge [sflag:s28], $0x1900  }
0x1f1: {  	[sflag:s28] =	ssyncset.done $0x0  }
0x1f2: {  	[sflag:s28] =	ssyncadd.s32 $0xFFFFE700  }
0x1f3: {  	_ =	swait.ge [sflag:s28], $0x1900  }
0x1f4: {  	[sflag:s28] =	ssyncset.done $0x0  }
0x1f5: {  	[sflag:s28] =	ssyncadd.s32 $0xFFFFE700  }
0x1f6: {  	_ =	swait.ge [sflag:s28], $0x1900  }
0x1f7: {  	[sflag:s28] =	ssyncset.done $0x0  }
0x1f8: {  	s31 =	sadd.s32 $0x1, s31;
	[sflag:s28] =	ssyncadd.s32 $0xFFFFE700  }
0x1f9: {  	p0 =	sne.s32 s31, $0x4;
	_ =	swait.ge [sflag:s28], $0x1900  }
.Ltmp1:
0x1fa: {  	[sflag:s28] =	ssyncset.done $0x0;
	(pc) =	sbr.rel @p0 .LBB2_2-.Ltmp1, $4  }
0x1fb: {  	[sflag:s28] =	ssyncadd.s32 $0xFFFFE700  }
0x1fc: {  	_ =	swait.ge [sflag:s28], $0x1900  }
0x1fd: {  	[sflag:s28] =	ssyncset.done $0x0  }
0x1fe: {  	s30 =	sadd.s32 $0x1C000, s30;
	[sflag:s28] =	ssyncadd.s32 $0xFFFFE700  }
0x1ff: {  	s1 =	rddreg [dreg:$0x13]  }
0x200: {  	s0 =	rddreg [dreg:$0x12];
	s1 =	sadd.s32 $0x1, s1  }
0x201: {  	p0 =	sne.s32 s1, s0  }
.Ltmp2:
0x202: {  	_ = 	snop;
	(pc) =	sbr.rel @p0 .LBB2_1-.Ltmp2, $1  }
0x203: {  	_ =	sdelay $0x3  }
0x204: {  	_ =	sfence.sel $0x180000  }
0x205: {  	[bflag:$0x0] =	sbarrier.arrive $0xFFFF  }
0x206: {  	_ =	strace $0x90000047  }
0x207: {  	s0 =	stileid.u32;
	[bflag:$0x2] =	sbarrier.arrive $0xFFFF  }
0x208: {  	p0 =	sne.s32 s0, $0x0;
	s0 =	rddreg [dreg:$0x2]  }
0x209: {  	s0 =	sadd.s32 @!p0 $0x100000, s0  }
0x20a: {  	[sflag:s0] =	ssyncadd.tile.s32 @!p0 $0x1;
	_ =	shalt  }
.Lfunc_end2:
_tile_overlayer_lowered:
.L_overlay_start_2:
0x20b: {  	(tag) =	ssettag $0x2  }
0x20c: {  	s0 =	rddreg [dreg:$0x0];
	s2 =	stileid.u32  }
0x20d: {  	s1 =	rddreg [dreg:$0x1];
	p0 =	sne.s32 s2, $0x0  }
0x20e: {  	s3 =	rddreg [dreg:$0x2];
	[bflag:$0x3] =	sbarrier.arrive $0xFFFF;
	s2 =	simm.s32 @!p0 $0x1C03  }
0x20f: {  	[timem:s3], [sflag:s2] =	dma.local @!p0 [hbm:s0], s1  }
0x210: {  	s0 =	simm.s32 @!p0 $0x3  }
0x211: {  	_ =	swait.ge @!p0 [sflag:s0], s1  }
0x212: {  	s1 =	ssub.s32 @!p0 $0x0, s1;
	[sflag:s0] =	ssyncset.done @!p0 $0x0  }
0x213: {  	[sflag:s0] =	ssyncadd.s32 @!p0 s1  }
0x214: {  	[bflag:$0x3] =	sbarrier.arrive $0xFFFF  }
0x215: {  	_ =	shalt  }

// kernel: sparse-core-data-format-call.cloned.1.call-start
scs
called_computation_lowered:
.L_overlay_start_0:
0x0: {  	s2 =	sld [smem:$0x3FD9]  }
0x1: {  	s3 =	sld [smem:$0x3FFE];
	_ =	sdelay $0x1  }
0x2: {  	s1 =	srdreg.scid  }
0x3: {  	s0 =	sand.u32 $0x1, s1  }
0x4: {  	s18 =	sshll.u32 s0, $0xA;
	s2 =	sadd.s32 s3, s2  }
0x5: {  	s2 =	sadd.s32 s2, s18  }
0x6: {  	[smem:$0x3FC6] =	sst s2  }
0x7: {  	_ = 	snop  }
0x8: {  	s2 =	sld [smem:$0x3FD0];
	(tm) =	ssettm $0x1  }
0x9: {  	s19 =	sld [smem:$0x3FFB];
	_ =	sdelay $0x3  }
0xa: {  	_ =	strace s19  }
0xb: {  	s3 =	sld [smem:$0x3FFC];
	_ =	sdelay $0x3  }
0xc: {  	_ =	strace s3  }
0xd: {  	s3 =	sld [smem:$0x3FFD];
	_ =	sdelay $0x3  }
0xe: {  	_ =	strace s3  }
0xf: {  	_ =	strace $0x8FFFFFFF  }
0x10: {  	s20 =	sld [smem:$0x3FDB];
	_ =	sdelay $0x1  }
0x11: {  	s4 =	simm.s32 $_scs_section_size  }
0x12: {  	s5 =	simm.s32 $_size__tile_overlayer_lowered;
	s6 =	simm.s32 $_tile_overlayer_lowered  }
0x13: {  	s23 =	simm.s32 $0x1BFF;
	s22 =	sshll.u32 s6, $0x1;
	s3 =	sadd.s32 s4, s20  }
0x14: {  	s7 =	simm.s32 $0x0;
	s21 =	sshll.u32 s5, $0x1;
	s5 =	sadd.s32 s22, s3  }
0x15: {  	[timem:s7], [sflag:s23] =	dma.local [hbm:s5], s21  }
0x16: {  	_ =	swait.ge [sflag:s23], s21  }
0x17: {  	s4 =	ssub.s32 $0x0, s21;
	[sflag:s23] =	ssyncset.done $0x0  }
0x18: {  	[sflag:s23] =	ssyncadd.s32 s4;
	_ =	sdelay $0x1  }
0x19: {  	s24 =	simm.s32 $0x1B8B  }
0x1a: {  	_ =	swait.ge [sflag:s24], $0x1  }
0x1b: {  	[sflag:s24] =	ssyncset.done $0x0  }
0x1c: {  	s26 =	simm.s32 $0x1B8E;
	s25 =	sld [smem:$0x3FFE];
	[sflag:s24] =	ssyncadd.s32 $0xFFFFFFFF  }
0x1d: {  	s27 =	simm.s32 $execute0_lowered;
	[smem:$0x3FD2] =	sst s26  }
0x1e: {  	s5 =	sshll.u32 s27, $0x1;
	_ =	strace $0x80000049;
	[dreg:$0x1] =	wrdreg $0xFFFFFFFF  }
0x1f: {  	s28 =	simm.s32 $_size_execute0_lowered;
	s3 =	sadd.s32 s3, s5;
	[dreg:$0x0] =	wrdreg $0x0  }
0x20: {  	s5 =	sshll.u32 s28, $0x1;
	[dreg:$0x2] =	wrdreg s3  }
0x21: {  	[dreg:$0x3] =	wrdreg s5  }
0x22: {  	[dreg:$0x4] =	wrdreg $0xC0  }
0x23: {  	_ =	task [dreg:s7], $0x5FFFF  }
0x24: {  	[dreg:$0x1] =	wrdreg $0xFFFFFFFF  }
0x25: {  	[dreg:$0x0] =	wrdreg $0x60  }
0x26: {  	[dreg:$0x2] =	wrdreg s25  }
0x27: {  	[dreg:$0x3] =	wrdreg s2  }
0x28: {  	[dreg:$0x4] =	wrdreg $0x9  }
0x29: {  	_ =	task.clear_ibuf [dreg:s7], $0x5FFFF;
	_ =	strace $0x90000049  }
0x2a: {  	s29 =	simm.s32 $0x9;
	_ =	strace $0x8000004B  }
0x2b: {  	_ =	swait.ge [sflag:s29], $0x1  }
0x2c: {  	[sflag:s29] =	ssyncadd.s32 $0xFFFFFFFF  }
0x2d: {  	_ =	strace $0x9000004B  }
0x2e: {  	_ =	sfence  }
0x2f: {  	s30 =	sld [smem:$0x0];
	_ =	sdelay $0x2  }
0x30: {  	s31 =	sshll.u32 s1, $0xD;
	s1 =	sshrl.u32 s1, $0x2  }
0x31: {  	s3 =	sand.u32 $0x4000, s31;
	s1 =	sadd.s32 s1, s30  }
0x32: {  	s0 =	sor.u32 s3, s0;
	s1 =	sshll.u32 s1, $0x11  }
0x33: {  	s0 =	sor.u32 s1, s0  }
0x34: {  	s0 =	sadd.s32 $0x8F2B, s0  }
0x35: {  	[sflag:s0] =	ssyncadd.remote.s32 $0x1  }
0x36: {  	_ =	sfence.sel $0xFFFF  }
0x37: {  	[dreg:$0x0] =	wrdreg $0xFFFFFFFF;
	(pc) =	sbr.abs _section_cstart, $3  }
0x38: {  	[dreg:$0x1] =	wrdreg $0xFFFFFFFF  }
0x39: {  	_ =	task.clear_ibuf [dreg:s7], $0x2FFFF;
	_ =	strace $0x9FFFFFFF  }
0x3a: {  	(tm) =	ssettm $0x7FFFFFFF  }
0x3b: {  	_ =	shalt  }
tec
execute0_lowered:
.L_overlay_start_1:
0x0: {  	(tag) =	ssettag $0x1  }
0x1: {  	s0 =	srdreg.scid  }
0x2: {  	s1 =	sshll.u32 s0, $0x4  }
0x3: {  	s0 =	stileid.u32;
	s1 =	sand.u32 $0x10, s1  }
0x4: {  	s1 =	sor.u32 s0, s1  }
0x5: {  	s6 =	rddreg [dreg:$0x0];
	s4 =	simm.s32 $0x1;
	s2 =	sshll.u32 s1, $0x7  }
0x6: {  	s7 =	simm.s32 $0x2;
	s12 =	simm.s32 $0x0;
	s1 =	ssub.s32 $0x4000, s2  }
0x7: {  	s8 =	simm.s32 $0x20000;
	s13 =	simm.s32 $0x0;
	s3 =	sand.u32 $0xF80, s1  }
0x8: {  	s9 =	simm.s32 $0x0;
	s5 =	sshrl.u32 s1, $0xC;
	p0 =	sne.s32 s3, $0x0  }
.Ltmp0:
0x9: {  	s1 =	rddreg [dreg:$0x2];
	s4 =	simm.s32 @!p0 $0x0;
	(pc) =	sbr.rel .LBB1_1-.Ltmp0, $4  }
0xa: {  	s11 =	simm.s32 $0x0;
	s3 =	rddreg [dreg:$0x1];
	s5 =	sadd.s32 s4, s5  }
0xb: {  	_ =	strace $0x8000004A;
	s4 =	simm.s32 $0x1;
	s5 =	smul.u32 $0x32, s5  }
0xc: {  	s6 =	sadd.s32 $0xA00, s6;
	s10 =	smov.u32 s2;
	[sflag:s4] =	ssyncpa.u1 $0x0  }
0xd: {  	p0 =	por $0x0, $0x0;
	[sflag:s7] =	ssyncpa.u1 $0x0;
	s7 =	sor.u32 $0x1, s5  }
.LBB1_4:
0xe: {  	s16 =	sshll.u32 s13, $0x3;
	s17 =	sand.u32 $0x78, s13  }
0xf: {  	s30 =	sand.u32 $0xF800, s13;
	s12 =	sshll.u32 s12, $0x10;
	s16 =	sand.u32 $0x3C00, s16  }
0x10: {  	s31 =	sand.u32 $0x7, s13;
	s16 =	sor.u32 s17, s16;
	s17 =	sadd.s32 s3, s30  }
0x11: {  	s13 =	sshll.u32 s31, $0x12;
	s16 =	sshrl.u32 s16, $0x3;
	s12 =	sadd.s32 s12, s17  }
0x12: {  	[tilespmem:s15+$0x0 ss:$0x81] =	vst.msk $0xffff, v0;
	s13 =	sor.u32 $0x400, s13;
	s12 =	sadd.s32 s16, s12  }
0x13: {  	[hbm4b:s12+s13] =	stream.strided.scatter [tilespmem:s14], [sflag:$0x2], $0x1000, s8, s13, $0x20;
	[tilespmem:$0x4040] =	vst v63  }
.LBB1_5:
0x14: {  	s14 =	sadd.s32 $0x1, s9  }
0x15: {  	s12 =	sadd.s32 $0x1000, s10;
	s16 =	smov.u32 s10;
	p2 =	sgt.s32 s14, $0x31  }
0x16: {  	s16 =	smov.u32 @p2 s12  }
0x17: {  	s14 =	simm.s32 @p2 $0x0;
	p2 =	sgt.s32 s16, $0x3FFF  }
0x18: {  	s16 =	smov.u32 @p2 s2;
	p2 =	sne.s32 s11, s7  }
.Ltmp1:
0x19: {  	p1 =	slt.u32 s11, $0x2;
	(pc) =	sbr.rel @!p2 .LBB1_6-.Ltmp1, $4  }
0x1a: {  	s15 =	simm.s32 @!p1 $0x2  }
0x1b: {  	s13 =	smov.u32 s10;
	p0 =	por !p0, !p0;
	_ =	swait.ge @!p1 [sflag:s15], $0x1000  }
0x1c: {  	s12 =	smov.u32 s9;
	[sflag:s15] =	ssyncset.done @!p1 $0x0;
	s9 =	smov.u32 s14  }
0x1d: {  	s11 =	sadd.s32 $0x1, s11;
	[sflag:s15] =	ssyncadd.s32 @!p1 $0xFFFFF000;
	s10 =	smov.u32 s16  }
.LBB1_1:
0x1e: {  	p1 =	sge.u32 s11, s5  }
0x1f: {  	s14 =	sand.u32 @!p1 $0x1FFFFFF, s9  }
0x20: {  	s15 =	smulhi.u32 @!p1 $0x4924925, s14;
	_ =	sdelay $0x1  }
0x21: {  	s15 =	smul.u32 @!p1 $0x38, s15  }
0x22: {  	s16 =	sxor.u32 @!p1 $0xFFFFFFFF, s11;
	s17 =	smul.u32 @!p1 $0x380, s10  }
0x23: {  	s31 =	sadd.s32 $0xFFFFFFFF, s11;
	s16 =	sshll.u32 @!p1 s16, $0xC;
	s14 =	ssub.s32 @!p1 s14, s15  }
0x24: {  	s15 =	sand.u32 @!p1 $0x1000, s16;
	s16 =	sadd.s32 @!p1 s6, s17;
	s14 =	sshll.u32 @!p1 s14, $0x4  }
0x25: {  	s17 =	simm.s32 @!p1 $0x1C00;
	s14 =	sadd.s32 @!p1 s14, s16;
	s16 =	simm.s32 @!p1 $0x20  }
0x26: {  	[tilespmem:s15], [sflag:$0x1] =	stream.strided.gather @!p1 [hbm4b:s14+s16], $0x1000, s17, s16, $0x38;
	[tilespmem:$0x4040] =	vst v63  }
0x27: {  	p1 =	sge.u32 s31, s5  }
.Ltmp2:
0x28: {  	_ = 	snop;
	(pc) =	sbr.rel @p1 .LBB1_5-.Ltmp2, $1  }
0x29: {  	_ =	sdelay $0x3  }
0x2a: {  	s14 =	simm.s32 $0x1  }
0x2b: {  	_ =	swait.ge [sflag:s4], $0x1000;
	s14 =	simm.s32 @!p0 $0x0  }
0x2c: {  	[sflag:s4] =	ssyncset.done $0x0;
	s15 =	sshll.u32 s14, $0xC  }
0x2d: {  	[sflag:s4] =	ssyncadd.s32 $0xFFFFF000;
	s18 =	sor.u32 $0x10, s15  }
0x2e: {  	s14 =	smul.u32 $0x4080, s14;
	v1 =	vld [tilespmem:s18+$0x0]  }
0x2f: {  	s30 =	sand.u32 $0x1, s11;
	v0 =	vld [tilespmem:s18+$0xFFFFFFF0]  }
0x30: {  	s15 =	smul.u32 $0x4080, s30;
	s14 =	sshrl.u32 s14, $0x2  }
0x31: {  	s16 =	sor.u32 $0x2000, s14  }
0x32: {  	s31 =	sshrl.u32 s15, $0x2;
	s15 =	sadd.s32 $0x0, s16  }
0x33: {  	s17 =	simm.s32 $0x4;
	s18 =	sadd.s32 $0x20, s18;
	s14 =	sor.u32 $0x2000, s31;
	[tilespmem:s15+$0x810 ss:$0x81] =	vst.msk $0xffff, v1  }
.LBB1_3:
0x34: {  	v1 =	vld [tilespmem:s18+$0x0];
	p1 =	sne.s32 s17, $0x1FC;
	[tilespmem:s15+$0x0 ss:$0x81] =	vst.msk $0xffff, v0;
	s15 =	smov.u32 s17;
	s17 =	sadd.s32 $0x4, s17  }
.Ltmp3:
0x35: {  	v0 =	vld [tilespmem:s18+$0xFFFFFFF0];
	(pc) =	sbr.rel @p1 .LBB1_3-.Ltmp3, $4  }
0x36: {  	_ = 	snop  }
0x37: {  	s15 =	sshra.s32 s15, $0x2  }
0x38: {  	s15 =	sadd.s32 s15, s16  }
0x39: {  	s18 =	sadd.s32 $0x20, s18;
	[tilespmem:s15+$0x810 ss:$0x81] =	vst.msk $0xffff, v1  }
.Ltmp4:
0x3a: {  	_ = 	snop;
	(pc) =	sbr.rel .LBB1_4-.Ltmp4, $1  }
0x3b: {  	_ =	sdelay $0x3  }
.LBB1_6:
0x3c: {  	_ =	sfence.sel $0x180000  }
0x3d: {  	s2 =	simm.s32 $0x1;
	[bflag:$0x0] =	sbarrier.arrive $0xFFFF  }
0x3e: {  	s31 =	simm.s32 $0x2;
	[sflag:s2] =	ssyncpa.u1 $0x1  }
0x3f: {  	[sflag:s31] =	ssyncpa.u1 $0x1  }
0x40: {  	p0 =	sne.s32 s0, $0x0;
	_ =	strace $0x9000004A  }
0x41: {  	s0 =	sadd.s32 @!p0 $0x100000, s1;
	[bflag:$0x2] =	sbarrier.arrive $0xFFFF  }
0x42: {  	[sflag:s0] =	ssyncadd.tile.s32 @!p0 $0x1;
	_ =	shalt  }
.Lfunc_end1:
_tile_overlayer_lowered:
.L_overlay_start_2:
0x43: {  	(tag) =	ssettag $0x2  }
0x44: {  	s0 =	rddreg [dreg:$0x0];
	s2 =	stileid.u32  }
0x45: {  	s1 =	rddreg [dreg:$0x1];
	p0 =	sne.s32 s2, $0x0  }
0x46: {  	s3 =	rddreg [dreg:$0x2];
	[bflag:$0x3] =	sbarrier.arrive $0xFFFF;
	s2 =	simm.s32 @!p0 $0x1C01  }
0x47: {  	[timem:s3], [sflag:s2] =	dma.local @!p0 [hbm:s0], s1  }
0x48: {  	s0 =	simm.s32 @!p0 $0x1  }
0x49: {  	_ =	swait.ge @!p0 [sflag:s0], s1  }
0x4a: {  	s1 =	ssub.s32 @!p0 $0x0, s1;
	[sflag:s0] =	ssyncset.done @!p0 $0x0  }
0x4b: {  	[sflag:s0] =	ssyncadd.s32 @!p0 s1  }
0x4c: {  	[bflag:$0x3] =	sbarrier.arrive $0xFFFF  }
0x4d: {  	_ =	shalt  }

</sc_bundles>
